<compile_context>
chip_gen: v7x
topology: tpu7x:2x2x1
jax: 0.10.2.dev20260603
libtpu: 0.0.44.dev20260713+nightly
codegen_flags: <defaults>
</compile_context>

<pallas_src>
import functools

import jax
import jax.numpy as jnp
from jax import lax
from jax.experimental import pallas as pl
from jax.experimental.pallas import tpu as pltpu
from jax.experimental.pallas import tpu_sc as plsc

T = 2048
H = 1024
FFN = 2048
E = 8
K = 2
EPAD = 128
S = K * T
SB = 512
BM = 256
NB = S // BM + E
RPAD = NB * BM
NTILES = 32
RPT = RPAD // NTILES
TPT = T // NTILES


def _router_body(hs_ref, gw_ref, logits_ref, wpair_ref, hsp_ref):
    x = hs_ref[...]
    xb = x.astype(jnp.bfloat16)
    lo = jax.lax.bitcast_convert_type(
        xb[:, :H // 2], jnp.uint16).astype(jnp.uint32)
    hi = jax.lax.bitcast_convert_type(
        xb[:, H // 2:], jnp.uint16).astype(jnp.uint32)
    hsp_ref[...] = jax.lax.bitcast_convert_type(lo | (hi << 16), jnp.int32)
    l = jax.lax.dot_general(
        x, gw_ref[...], (((1,), (1,)), ((), ())),
        preferred_element_type=jnp.float32)
    logits_ref[...] = l
    lane = jax.lax.broadcasted_iota(jnp.int32, l.shape, 1)
    neg = jnp.float32(-1e30)
    big = jnp.int32(10**9)
    lm = jnp.where(lane < E, l, neg)
    m1 = jnp.max(lm, axis=1, keepdims=True)
    id1 = jnp.min(jnp.where(lm == m1, lane, big), axis=1, keepdims=True)
    lm2 = jnp.where(lane == id1, neg, lm)
    m2 = jnp.max(lm2, axis=1, keepdims=True)
    id2 = jnp.min(jnp.where(lm2 == m2, lane, big), axis=1, keepdims=True)
    w1p = 1.0 / (1.0 + jnp.exp(m2 - m1))
    w2p = 1.0 - w1p
    wpair_ref[...] = jnp.where(
        lane == 0, w1p,
        jnp.where(lane == 1, w2p,
                  jnp.where(lane == 2, id1.astype(jnp.float32),
                            jnp.where(lane == 3, id2.astype(jnp.float32),
                                      0.0))))


def _dispatch_body(wpair_ref, combo_ref, counts_ref, acc_ref):
    b = pl.program_id(0)
    k = b // (T // SB)
    wp = wpair_ref[...]
    lane = jax.lax.broadcasted_iota(jnp.int32, wp.shape, 1)
    idc = jnp.sum(jnp.where(lane == 2 + k, wp, 0.0), axis=1, keepdims=True)
    sel = idc.astype(jnp.int32)
    wcol = jnp.sum(jnp.where(lane == k, wp, 0.0), axis=1, keepdims=True)
    mask = (lane == sel).astype(jnp.float32)
    ri = jax.lax.broadcasted_iota(jnp.int32, (SB, SB), 0)
    ci = jax.lax.broadcasted_iota(jnp.int32, (SB, SB), 1)
    tri = (ci < ri).astype(jnp.float32)
    rank = jax.lax.dot_general(
        tri, mask, (((1,), (0,)), ((), ())),
        preferred_element_type=jnp.float32)
    prev = jnp.where(b == 0, jnp.zeros_like(acc_ref[...]), acc_ref[...])
    rank = rank + prev
    rksel = jnp.sum(mask * rank, axis=1, keepdims=True)
    combo_ref[...] = jnp.where(
        lane == 0, rksel,
        jnp.where(lane == 1, idc, jnp.where(lane == 2, wcol, 0.0)))
    total = prev + jnp.sum(mask, axis=0, keepdims=True)
    acc_ref[...] = total

    @pl.when(b == pl.num_programs(0) - 1)
    def _():
        counts_ref[...] = jnp.broadcast_to(total, (8, EPAD))


def _pos_body(combo_ref, offs_ref, posw_ref):
    cb = combo_ref[...]
    lane = jax.lax.broadcasted_iota(jnp.int32, cb.shape, 1)
    rk = jnp.sum(jnp.where(lane == 0, cb, 0.0), axis=1, keepdims=True)
    idc = jnp.sum(jnp.where(lane == 1, cb, 0.0), axis=1, keepdims=True)
    wcol = jnp.sum(jnp.where(lane == 2, cb, 0.0), axis=1, keepdims=True)
    mask = (lane == idc.astype(jnp.int32)).astype(jnp.float32)
    off = jnp.sum(mask * offs_ref[0:1, :], axis=1, keepdims=True)
    pos = rk + off
    posw_ref[...] = jnp.where(lane == 0, pos,
                              jnp.where(lane == 1, wcol, 0.0))


def _sc_gather_body(pos_hbm, w_hbm, zi_hbm, zf_hbm, nu_hbm, hs_hbm,
                    xs_hbm, rw_hbm,
                    posv, wv, ssv, rwv, nuv, b0, b1, b2, b3,
                    g0, g1, g2, g3, e0, e1, e2, e3):
    c = lax.axis_index("c")
    s = lax.axis_index("s")
    wid = s * 2 + c
    pltpu.sync_copy(pos_hbm, posv)
    pltpu.sync_copy(w_hbm, wv)
    pltpu.sync_copy(zi_hbm, ssv)
    pltpu.sync_copy(zf_hbm, rwv)
    pltpu.sync_copy(nu_hbm, nuv)

    def body(i, carry):
        sl = pl.ds(i * 16, 16)
        pos = posv[sl]
        w = wv[sl]
        slot = lax.iota(jnp.int32, 16) + i * 16
        tok = slot & (T - 1)
        plsc.store_scatter(ssv, [pos], tok)
        plsc.store_scatter(rwv, [pos], w)
        return carry

    lax.fori_loop(0, S // 16, body, 0)

    @pl.when(wid == 0)
    def _():
        pltpu.sync_copy(rwv, rw_hbm)

    base = wid * RPT
    NCK = 4
    CH = RPT // NCK
    nlim = nuv[pl.ds(0, 16)][0] * BM
    bufs = (b0, b1, b2, b3)
    gsem = (g0, g1, g2, g3)
    wsem = (e0, e1, e2, e3)
    for ck in range(NCK):
        @pl.when(base + ck * CH < nlim)
        def _(ck=ck):
            pltpu.async_copy(
                hs_hbm.at[ssv.at[pl.ds(base + ck * CH, CH)]],
                bufs[ck], gsem[ck])
    for ck in range(NCK):
        @pl.when(base + ck * CH < nlim)
        def _(ck=ck):
            pltpu.make_async_copy(
                hs_hbm.at[ssv.at[pl.ds(base + ck * CH, CH)]],
                bufs[ck], gsem[ck]).wait()
            pltpu.async_copy(
                bufs[ck], xs_hbm.at[pl.ds(base + ck * CH, CH)], wsem[ck])
    for ck in range(NCK):
        @pl.when(base + ck * CH < nlim)
        def _(ck=ck):
            pltpu.make_async_copy(
                bufs[ck], xs_hbm.at[pl.ds(base + ck * CH, CH)],
                wsem[ck]).wait()


def _ffn_body(be_ref, nu_ref, x_ref, rw_ref, w1_ref, w3_ref, w2_ref, out_ref):
    b = pl.program_id(0)

    @pl.when(b < nu_ref[0])
    def _():
        xp = jax.lax.bitcast_convert_type(x_ref[...], jnp.uint32)
        lo = jax.lax.bitcast_convert_type(
            (xp & jnp.uint32(0xFFFF)).astype(jnp.uint16), jnp.bfloat16)
        hi = jax.lax.bitcast_convert_type(
            (xp >> 16).astype(jnp.uint16), jnp.bfloat16)
        x = jnp.concatenate([lo, hi], axis=1)
        h1 = jax.lax.dot_general(
            x, w1_ref[0], (((1,), (1,)), ((), ())),
            preferred_element_type=jnp.float32)
        h3 = jax.lax.dot_general(
            x, w3_ref[0], (((1,), (1,)), ((), ())),
            preferred_element_type=jnp.float32)
        inter = (h1 * jax.nn.sigmoid(h1)) * h3
        y = jax.lax.dot_general(
            inter.astype(jnp.bfloat16), w2_ref[0], (((1,), (1,)), ((), ())),
            preferred_element_type=jnp.float32)
        out_ref[...] = y * rw_ref[...]


def _sc_combine_body(y_hbm, pos_hbm, out_hbm, p0v, p1v, y0b, y1b, sem0, sem1):
    c = lax.axis_index("c")
    s = lax.axis_index("s")
    wid = s * 2 + c
    base = wid * TPT
    pltpu.sync_copy(pos_hbm.at[pl.ds(base, TPT)], p0v)
    pltpu.sync_copy(pos_hbm.at[pl.ds(T + base, TPT)], p1v)
    for ck in range(TPT // 32):
        cp0 = pltpu.async_copy(
            y_hbm.at[p0v.at[pl.ds(ck * 32, 32)]], y0b, sem0)
        cp1 = pltpu.async_copy(
            y_hbm.at[p1v.at[pl.ds(ck * 32, 32)]], y1b, sem1)
        cp0.wait()
        cp1.wait()

        def body(i, carry):
            j = i >> 6
            sl = pl.ds((i & 63) * 16, 16)
            y0b[j, sl] = y0b[j, sl] + y1b[j, sl]
            return carry

        lax.fori_loop(0, 32 * (H // 16), body, 0)
        pltpu.sync_copy(y0b, out_hbm.at[pl.ds(base + ck * 32, 32)])


@functools.partial(jax.jit, static_argnums=())
def kernel(hidden_states, gate_w, w1, w3, w2):
    b, s, h = hidden_states.shape
    hs = hidden_states.reshape(-1, h)
    gw_pad = jnp.zeros((EPAD, H), jnp.float32).at[:E].set(gate_w)

    logits_pad, wpair, hsp = pl.pallas_call(
        _router_body,
        out_shape=(
            jax.ShapeDtypeStruct((T, EPAD), jnp.float32),
            jax.ShapeDtypeStruct((T, EPAD), jnp.float32),
            jax.ShapeDtypeStruct((T, H // 2), jnp.int32),
        ),
    )(hs, gw_pad)

    combo, counts = pl.pallas_call(
        _dispatch_body,
        grid=(S // SB,),
        in_specs=[pl.BlockSpec((SB, EPAD), lambda b: (b % (T // SB), 0))],
        out_specs=(
            pl.BlockSpec((SB, EPAD), lambda b: (b, 0)),
            pl.BlockSpec((8, EPAD), lambda b: (0, 0)),
        ),
        out_shape=(
            jax.ShapeDtypeStruct((S, EPAD), jnp.float32),
            jax.ShapeDtypeStruct((8, EPAD), jnp.float32),
        ),
        scratch_shapes=[pltpu.VMEM((1, EPAD), jnp.float32)],
        compiler_params=pltpu.CompilerParams(
            dimension_semantics=("arbitrary",)),
    )(wpair)

    counts8 = counts[0, :E].astype(jnp.int32)
    padded = ((counts8 + BM - 1) // BM) * BM
    offs_next = jnp.cumsum(padded)
    offs = offs_next - padded
    nused = offs_next[E - 1] // BM
    bb = jnp.minimum(jnp.arange(NB, dtype=jnp.int32), nused - 1) * BM
    be = jnp.searchsorted(offs_next, bb, side="right").astype(jnp.int32)
    nu = nused.reshape(1)
    offs_row = jnp.broadcast_to(
        jnp.pad(offs.astype(jnp.float32), (0, EPAD - E)), (8, EPAD))

    posw = pl.pallas_call(
        _pos_body,
        out_shape=jax.ShapeDtypeStruct((S, EPAD), jnp.float32),
    )(combo, offs_row)
    pos = posw[:, 0].astype(jnp.int32)
    w_flat = posw[:, 1]
    zi = jnp.zeros((RPAD,), jnp.int32)
    zf = jnp.zeros((RPAD,), jnp.float32)

    mesh = plsc.VectorSubcoreMesh(
        core_axis_name="c", subcore_axis_name="s", num_cores=2,
        num_subcores=16)
    nu16 = jnp.zeros((16,), jnp.int32).at[0].set(nused)
    sc_gather = pl.kernel(
        _sc_gather_body,
        out_type=(
            jax.ShapeDtypeStruct((RPAD, H // 2), jnp.int32),
            jax.ShapeDtypeStruct((RPAD,), jnp.float32),
        ),
        mesh=mesh,
        scratch_types=[
            pltpu.VMEM((S,), jnp.int32),
            pltpu.VMEM((S,), jnp.float32),
            pltpu.VMEM((RPAD,), jnp.int32),
            pltpu.VMEM((RPAD,), jnp.float32),
            pltpu.VMEM((16,), jnp.int32),
            pltpu.VMEM((RPT // 4, H // 2), jnp.int32),
            pltpu.VMEM((RPT // 4, H // 2), jnp.int32),
            pltpu.VMEM((RPT // 4, H // 2), jnp.int32),
            pltpu.VMEM((RPT // 4, H // 2), jnp.int32),
            pltpu.SemaphoreType.DMA,
            pltpu.SemaphoreType.DMA,
            pltpu.SemaphoreType.DMA,
            pltpu.SemaphoreType.DMA,
            pltpu.SemaphoreType.DMA,
            pltpu.SemaphoreType.DMA,
            pltpu.SemaphoreType.DMA,
            pltpu.SemaphoreType.DMA,
        ],
        compiler_params=pltpu.CompilerParams(needs_layout_passes=False),
    )
    x_sorted, rw_sorted = sc_gather(pos, w_flat, zi, zf, nu16, hsp)

    w1b = w1.astype(jnp.bfloat16)
    w3b = w3.astype(jnp.bfloat16)
    w2b = w2.astype(jnp.bfloat16)

    y_sorted = pl.pallas_call(
        _ffn_body,
        grid_spec=pltpu.PrefetchScalarGridSpec(
            num_scalar_prefetch=2,
            grid=(NB,),
            in_specs=[
                pl.BlockSpec((BM, H // 2), lambda b, be, nu: (b, 0)),
                pl.BlockSpec((BM, 1), lambda b, be, nu: (b, 0)),
                pl.BlockSpec((1, FFN, H), lambda b, be, nu: (be[b], 0, 0)),
                pl.BlockSpec((1, FFN, H), lambda b, be, nu: (be[b], 0, 0)),
                pl.BlockSpec((1, H, FFN), lambda b, be, nu: (be[b], 0, 0)),
            ],
            out_specs=pl.BlockSpec((BM, H), lambda b, be, nu: (b, 0)),
        ),
        out_shape=jax.ShapeDtypeStruct((RPAD, H), jnp.float32),
        compiler_params=pltpu.CompilerParams(
            dimension_semantics=("arbitrary",)),
    )(be, nu, x_sorted, rw_sorted.reshape(RPAD, 1), w1b, w3b, w2b)

    sc_combine = pl.kernel(
        _sc_combine_body,
        out_type=jax.ShapeDtypeStruct((T, H), jnp.float32),
        mesh=mesh,
        scratch_types=[
            pltpu.VMEM((TPT,), jnp.int32),
            pltpu.VMEM((TPT,), jnp.int32),
            pltpu.VMEM((32, H), jnp.float32),
            pltpu.VMEM((32, H), jnp.float32),
            pltpu.SemaphoreType.DMA,
            pltpu.SemaphoreType.DMA,
        ],
        compiler_params=pltpu.CompilerParams(needs_layout_passes=False),
    )
    final = sc_combine(y_sorted, pos)

    return (final.reshape(b, s, h), logits_pad[:, :E])

# --- scband reference (transcript-rebuilt; emitter-appended) ---
"""Pipeline reference for scband-qmixtral-sparse-moe-block-29317446762578 (READ-ONLY COPY).

The authoritative reference and input builder live on the scoring server;
editing this copy changes nothing except your own understanding.
"""

import jax, jax.numpy as jnp
import numpy as np

B, S, HIDDEN = 1, 2048, 1024
FFN = 2048
E = 8
TOPK = 2


def setup_inputs(seed: int = 0) -> dict:
    key = jax.random.key(seed)
    ks = jax.random.split(key, 5)
    hidden_states = jax.random.normal(ks[0], (B, S, HIDDEN), dtype=jnp.float32)
    gate_w = jax.random.normal(ks[1], (E, HIDDEN), dtype=jnp.float32) * 0.02
    w1 = jax.random.normal(ks[2], (E, FFN, HIDDEN), dtype=jnp.float32) * 0.02
    w3 = jax.random.normal(ks[3], (E, FFN, HIDDEN), dtype=jnp.float32) * 0.02
    w2 = jax.random.normal(ks[4], (E, HIDDEN, FFN), dtype=jnp.float32) * 0.02
    return {"hidden_states": hidden_states, "gate_w": gate_w, "w1": w1, "w3": w3, "w2": w2}


def reference(hidden_states, gate_w, w1, w3, w2):
    b, s, h = hidden_states.shape
    hs = hidden_states.reshape(-1, h)
    router_logits = hs @ gate_w.T  # [T, E]
    routing_weights = jax.nn.softmax(router_logits.astype(jnp.float32), axis=1)
    rw_topk, selected_experts = jax.lax.top_k(routing_weights, TOPK)  # [T, k]
    rw_topk = rw_topk / jnp.sum(rw_topk, axis=-1, keepdims=True)
    final = jnp.zeros((b * s, h), dtype=jnp.float32)
    for e in range(E):
        # per-token weight for expert e (0 if not selected) -- mathematically
        # identical to the torch where/index_add dispatch
        mask = (selected_experts == e).astype(jnp.float32)  # [T, k]
        w_tok = jnp.sum(rw_topk * mask, axis=-1)  # [T]
        inter = jax.nn.silu(hs @ w1[e].T) * (hs @ w3[e].T)  # [T, FFN]
        out_e = inter @ w2[e].T  # [T, H]
        final = final + out_e * w_tok[:, None]
    final = final.reshape(b, s, h)
    return (final, router_logits)

if __name__ == "__main__":
    import jax
    _d = setup_inputs()
    print(jax.jit(kernel)(*tuple(_d.values())))

</pallas_src>

<mosaic_0001>
#map = affine_map<(d0, d1) -> (0)>
#map1 = affine_map<(d0, d1) -> (0, 0)>
module attributes {stable_mosaic.version = 14 : i64} {
  func.func @_sc_gather_body(%arg0: i32, %arg1: i32, %arg2: memref<2048xi32, #tpu.memory_space<hbm>>, %arg3: memref<2048xf32, #tpu.memory_space<hbm>>, %arg4: memref<6144xi32, #tpu.memory_space<hbm>>, %arg5: memref<6144xf32, #tpu.memory_space<hbm>>, %arg6: memref<16xi32, #tpu.memory_space<hbm>>, %arg7: memref<2048x512xi32, #tpu.memory_space<hbm>>, %arg8: memref<6144x512xi32, #tpu.memory_space<hbm>>, %arg9: memref<6144xf32, #tpu.memory_space<hbm>>, %arg10: memref<2048xi32, #tpu.memory_space<vmem>>, %arg11: memref<2048xf32, #tpu.memory_space<vmem>>, %arg12: memref<6144xi32, #tpu.memory_space<vmem>>, %arg13: memref<6144xf32, #tpu.memory_space<vmem>>, %arg14: memref<16xi32, #tpu.memory_space<vmem>>, %arg15: memref<48x512xi32, #tpu.memory_space<vmem>>, %arg16: memref<48x512xi32, #tpu.memory_space<vmem>>, %arg17: memref<48x512xi32, #tpu.memory_space<vmem>>, %arg18: memref<48x512xi32, #tpu.memory_space<vmem>>, %arg19: memref<!tpu.dma_semaphore, #tpu.memory_space<semaphore_mem>>, %arg20: memref<!tpu.dma_semaphore, #tpu.memory_space<semaphore_mem>>, %arg21: memref<!tpu.dma_semaphore, #tpu.memory_space<semaphore_mem>>, %arg22: memref<!tpu.dma_semaphore, #tpu.memory_space<semaphore_mem>>, %arg23: memref<!tpu.dma_semaphore, #tpu.memory_space<semaphore_mem>>, %arg24: memref<!tpu.dma_semaphore, #tpu.memory_space<semaphore_mem>>, %arg25: memref<!tpu.dma_semaphore, #tpu.memory_space<semaphore_mem>>, %arg26: memref<!tpu.dma_semaphore, #tpu.memory_space<semaphore_mem>>) attributes {dimension_semantics = [#tpu.dimension_semantics<core_parallel>, #tpu.dimension_semantics<subcore_parallel>], iteration_bounds = array<i64: 2, 16>, scalar_prefetch = 0 : i64, scratch_operands = 17 : i64, tpu.core_type = #tpu.core_type<sc_vector_subcore>, window_params = [{transform_indices = #map}, {transform_indices = #map}, {transform_indices = #map}, {transform_indices = #map}, {transform_indices = #map}, {transform_indices = #map1}, {transform_indices = #map1}, {transform_indices = #map}]} {
    %mul3A = arith.constant 2 : i32
    %mul3A_0 = arith.muli %arg1, %mul3A : i32
    %add3A = arith.addi %mul3A_0, %arg0 : i32
    "tpu.region"() ({
      %run_scoped3A = tpu.sem_alloc : memref<!tpu.dma_semaphore, #tpu.memory_space<semaphore_mem>>
      tpu.enqueue_dma source(%arg2 : memref<2048xi32, #tpu.memory_space<hbm>>) target(%arg10 : memref<2048xi32, #tpu.memory_space<vmem>>) target_semaphore(%run_scoped3A : memref<!tpu.dma_semaphore, #tpu.memory_space<semaphore_mem>>)
      tpu.wait_dma2 semaphore(%run_scoped3A : memref<!tpu.dma_semaphore, #tpu.memory_space<semaphore_mem>>) src(%arg2 : memref<2048xi32, #tpu.memory_space<hbm>>) dst(%arg10 : memref<2048xi32, #tpu.memory_space<vmem>>)
      tpu.yield
    }) : () -> ()
    "tpu.region"() ({
      %run_scoped3A = tpu.sem_alloc : memref<!tpu.dma_semaphore, #tpu.memory_space<semaphore_mem>>
      tpu.enqueue_dma source(%arg3 : memref<2048xf32, #tpu.memory_space<hbm>>) target(%arg11 : memref<2048xf32, #tpu.memory_space<vmem>>) target_semaphore(%run_scoped3A : memref<!tpu.dma_semaphore, #tpu.memory_space<semaphore_mem>>)
      tpu.wait_dma2 semaphore(%run_scoped3A : memref<!tpu.dma_semaphore, #tpu.memory_space<semaphore_mem>>) src(%arg3 : memref<2048xf32, #tpu.memory_space<hbm>>) dst(%arg11 : memref<2048xf32, #tpu.memory_space<vmem>>)
      tpu.yield
    }) : () -> ()
    "tpu.region"() ({
      %run_scoped3A = tpu.sem_alloc : memref<!tpu.dma_semaphore, #tpu.memory_space<semaphore_mem>>
      tpu.enqueue_dma source(%arg4 : memref<6144xi32, #tpu.memory_space<hbm>>) target(%arg12 : memref<6144xi32, #tpu.memory_space<vmem>>) target_semaphore(%run_scoped3A : memref<!tpu.dma_semaphore, #tpu.memory_space<semaphore_mem>>)
      tpu.wait_dma2 semaphore(%run_scoped3A : memref<!tpu.dma_semaphore, #tpu.memory_space<semaphore_mem>>) src(%arg4 : memref<6144xi32, #tpu.memory_space<hbm>>) dst(%arg12 : memref<6144xi32, #tpu.memory_space<vmem>>)
      tpu.yield
    }) : () -> ()
    "tpu.region"() ({
      %run_scoped3A = tpu.sem_alloc : memref<!tpu.dma_semaphore, #tpu.memory_space<semaphore_mem>>
      tpu.enqueue_dma source(%arg5 : memref<6144xf32, #tpu.memory_space<hbm>>) target(%arg13 : memref<6144xf32, #tpu.memory_space<vmem>>) target_semaphore(%run_scoped3A : memref<!tpu.dma_semaphore, #tpu.memory_space<semaphore_mem>>)
      tpu.wait_dma2 semaphore(%run_scoped3A : memref<!tpu.dma_semaphore, #tpu.memory_space<semaphore_mem>>) src(%arg5 : memref<6144xf32, #tpu.memory_space<hbm>>) dst(%arg13 : memref<6144xf32, #tpu.memory_space<vmem>>)
      tpu.yield
    }) : () -> ()
    "tpu.region"() ({
      %run_scoped3A = tpu.sem_alloc : memref<!tpu.dma_semaphore, #tpu.memory_space<semaphore_mem>>
      tpu.enqueue_dma source(%arg6 : memref<16xi32, #tpu.memory_space<hbm>>) target(%arg14 : memref<16xi32, #tpu.memory_space<vmem>>) target_semaphore(%run_scoped3A : memref<!tpu.dma_semaphore, #tpu.memory_space<semaphore_mem>>)
      tpu.wait_dma2 semaphore(%run_scoped3A : memref<!tpu.dma_semaphore, #tpu.memory_space<semaphore_mem>>) src(%arg6 : memref<16xi32, #tpu.memory_space<hbm>>) dst(%arg14 : memref<16xi32, #tpu.memory_space<vmem>>)
      tpu.yield
    }) : () -> ()
    %scan3A = arith.constant 0 : i32
    %scan3A_1 = arith.constant 0 : i32
    %scan3A_2 = arith.constant 128 : i32
    %scan3A_3 = arith.addi %scan3A_1, %scan3A_2 : i32
    %scan3A_4 = arith.constant 1 : i32
    scf.for %scan3A_84 = %scan3A_1 to %scan3A_3 step %scan3A_4  : i32 {
      %mul3A_85 = arith.constant 16 : i32
      %mul3A_86 = arith.muli %scan3A_84, %mul3A_85 : i32
      %get3A_87 = arith.index_cast %mul3A_86 : i32 to index
      %get3A_88 = tpu.vector_load %arg10[%get3A_87] {strides = array<i32>} : memref<2048xi32, #tpu.memory_space<vmem>>, vector<16xi32>,
      %get3A_89 = arith.index_cast %mul3A_86 : i32 to index
      %get3A_90 = tpu.vector_load %arg11[%get3A_89] {strides = array<i32>} : memref<2048xf32, #tpu.memory_space<vmem>>, vector<16xf32>,
      %iota3A = tpu.iota {dimensions = array<i32: 0>} : vector<16xi32>
      %mul3A_91 = arith.constant 16 : i32
      %mul3A_92 = arith.muli %scan3A_84, %mul3A_91 : i32
      %add3A_93 = vector.broadcast %mul3A_92 : i32 to vector<16xi32>
      %add3A_94 = arith.addi %iota3A, %add3A_93 : vector<16xi32>
      %and3A = arith.constant 2047 : i32
      %and3A_95 = vector.broadcast %and3A : i32 to vector<16xi32>
      %and3A_96 = arith.andi %add3A_94, %and3A_95 : vector<16xi32>
      tpu.vector_store_idx %arg12[%get3A_88], %and3A_96 : memref<6144xi32, #tpu.memory_space<vmem>>[vector<16xi32>], vector<16xi32>,
      tpu.vector_store_idx %arg13[%get3A_88], %get3A_90 : memref<6144xf32, #tpu.memory_space<vmem>>[vector<16xi32>], vector<16xf32>,
    }
    %scan3A_5 = arith.constant 128 : i32
    %eq3A = arith.constant 0 : i32
    %eq3A_6 = arith.cmpi eq, %add3A, %eq3A : i32
    %convert_element_type3A = arith.extui %eq3A_6 : i1 to i32
    %cond3A = arith.constant 0 : i32
    %cond3A_7 = arith.cmpi ne, %convert_element_type3A, %cond3A : i32
    scf.if %cond3A_7 {
      "tpu.region"() ({
        %run_scoped3A = tpu.sem_alloc : memref<!tpu.dma_semaphore, #tpu.memory_space<semaphore_mem>>
        tpu.enqueue_dma source(%arg13 : memref<6144xf32, #tpu.memory_space<vmem>>) target(%arg9 : memref<6144xf32, #tpu.memory_space<hbm>>) target_semaphore(%run_scoped3A : memref<!tpu.dma_semaphore, #tpu.memory_space<semaphore_mem>>)
        tpu.wait_dma2 semaphore(%run_scoped3A : memref<!tpu.dma_semaphore, #tpu.memory_space<semaphore_mem>>) src(%arg13 : memref<6144xf32, #tpu.memory_space<vmem>>) dst(%arg9 : memref<6144xf32, #tpu.memory_space<hbm>>)
        tpu.yield
      }) : () -> ()
    } else {
    }
    %mul3A_8 = arith.constant 192 : i32
    %mul3A_9 = arith.muli %add3A, %mul3A_8 : i32
    %get3A = arith.constant 0 : index
    %get3A_10 = tpu.vector_load %arg14[%get3A] {strides = array<i32>} : memref<16xi32, #tpu.memory_space<vmem>>, vector<16xi32>,
    %slice3A = vector.extract_strided_slice %get3A_10 {offsets = [0], sizes = [1], strides = [1]} : vector<16xi32> to vector<1xi32>
    %squeeze3A = vector.extract %slice3A[0] : i32 from vector<1xi32>
    %mul3A_11 = arith.constant 256 : i32
    %mul3A_12 = arith.muli %squeeze3A, %mul3A_11 : i32
    %add3A_13 = arith.constant 0 : i32
    %add3A_14 = arith.addi %mul3A_9, %add3A_13 : i32
    %lt3A = arith.cmpi slt, %add3A_14, %mul3A_12 : i32
    %convert_element_type3A_15 = arith.extui %lt3A : i1 to i32
    %cond3A_16 = arith.constant 0 : i32
    %cond3A_17 = arith.cmpi ne, %convert_element_type3A_15, %cond3A_16 : i32
    scf.if %cond3A_17 {
      %add3A_84 = arith.constant 0 : i32
      %add3A_85 = arith.addi %mul3A_9, %add3A_84 : i32
      %dma_start3A = tpu.memref_slice %arg12[%add3A_85] : memref<6144xi32, #tpu.memory_space<vmem>> -> memref<48xi32, #tpu.memory_space<vmem>>
      %dma_start3A_86 = arith.constant 0 : i32
      %dma_start3A_87 = arith.constant 0 : i32
      %dma_start3A_88 = tpu.memref_slice %arg7[%dma_start3A_86, %dma_start3A_87] : memref<2048x512xi32, #tpu.memory_space<hbm>> -> memref<2048x512xi32, #tpu.memory_space<hbm>>
      tpu.enqueue_indirect_dma source(%dma_start3A_88 : memref<2048x512xi32, #tpu.memory_space<hbm>>) target(%arg15 : memref<48x512xi32, #tpu.memory_space<vmem>>) offsets(%dma_start3A : memref<48xi32, #tpu.memory_space<vmem>>) semaphore(%arg19 : memref<!tpu.dma_semaphore, #tpu.memory_space<semaphore_mem>>)
    } else {
    }
    %add3A_18 = arith.constant 48 : i32
    %add3A_19 = arith.addi %mul3A_9, %add3A_18 : i32
    %lt3A_20 = arith.cmpi slt, %add3A_19, %mul3A_12 : i32
    %convert_element_type3A_21 = arith.extui %lt3A_20 : i1 to i32
    %cond3A_22 = arith.constant 0 : i32
    %cond3A_23 = arith.cmpi ne, %convert_element_type3A_21, %cond3A_22 : i32
    scf.if %cond3A_23 {
      %add3A_84 = arith.constant 48 : i32
      %add3A_85 = arith.addi %mul3A_9, %add3A_84 : i32
      %dma_start3A = tpu.memref_slice %arg12[%add3A_85] : memref<6144xi32, #tpu.memory_space<vmem>> -> memref<48xi32, #tpu.memory_space<vmem>>
      %dma_start3A_86 = arith.constant 0 : i32
      %dma_start3A_87 = arith.constant 0 : i32
      %dma_start3A_88 = tpu.memref_slice %arg7[%dma_start3A_86, %dma_start3A_87] : memref<2048x512xi32, #tpu.memory_space<hbm>> -> memref<2048x512xi32, #tpu.memory_space<hbm>>
      tpu.enqueue_indirect_dma source(%dma_start3A_88 : memref<2048x512xi32, #tpu.memory_space<hbm>>) target(%arg16 : memref<48x512xi32, #tpu.memory_space<vmem>>) offsets(%dma_start3A : memref<48xi32, #tpu.memory_space<vmem>>) semaphore(%arg20 : memref<!tpu.dma_semaphore, #tpu.memory_space<semaphore_mem>>)
    } else {
    }
    %add3A_24 = arith.constant 96 : i32
    %add3A_25 = arith.addi %mul3A_9, %add3A_24 : i32
    %lt3A_26 = arith.cmpi slt, %add3A_25, %mul3A_12 : i32
    %convert_element_type3A_27 = arith.extui %lt3A_26 : i1 to i32
    %cond3A_28 = arith.constant 0 : i32
    %cond3A_29 = arith.cmpi ne, %convert_element_type3A_27, %cond3A_28 : i32
    scf.if %cond3A_29 {
      %add3A_84 = arith.constant 96 : i32
      %add3A_85 = arith.addi %mul3A_9, %add3A_84 : i32
      %dma_start3A = tpu.memref_slice %arg12[%add3A_85] : memref<6144xi32, #tpu.memory_space<vmem>> -> memref<48xi32, #tpu.memory_space<vmem>>
      %dma_start3A_86 = arith.constant 0 : i32
      %dma_start3A_87 = arith.constant 0 : i32
      %dma_start3A_88 = tpu.memref_slice %arg7[%dma_start3A_86, %dma_start3A_87] : memref<2048x512xi32, #tpu.memory_space<hbm>> -> memref<2048x512xi32, #tpu.memory_space<hbm>>
      tpu.enqueue_indirect_dma source(%dma_start3A_88 : memref<2048x512xi32, #tpu.memory_space<hbm>>) target(%arg17 : memref<48x512xi32, #tpu.memory_space<vmem>>) offsets(%dma_start3A : memref<48xi32, #tpu.memory_space<vmem>>) semaphore(%arg21 : memref<!tpu.dma_semaphore, #tpu.memory_space<semaphore_mem>>)
    } else {
    }
    %add3A_30 = arith.constant 144 : i32
    %add3A_31 = arith.addi %mul3A_9, %add3A_30 : i32
    %lt3A_32 = arith.cmpi slt, %add3A_31, %mul3A_12 : i32
    %convert_element_type3A_33 = arith.extui %lt3A_32 : i1 to i32
    %cond3A_34 = arith.constant 0 : i32
    %cond3A_35 = arith.cmpi ne, %convert_element_type3A_33, %cond3A_34 : i32
    scf.if %cond3A_35 {
      %add3A_84 = arith.constant 144 : i32
      %add3A_85 = arith.addi %mul3A_9, %add3A_84 : i32
      %dma_start3A = tpu.memref_slice %arg12[%add3A_85] : memref<6144xi32, #tpu.memory_space<vmem>> -> memref<48xi32, #tpu.memory_space<vmem>>
      %dma_start3A_86 = arith.constant 0 : i32
      %dma_start3A_87 = arith.constant 0 : i32
      %dma_start3A_88 = tpu.memref_slice %arg7[%dma_start3A_86, %dma_start3A_87] : memref<2048x512xi32, #tpu.memory_space<hbm>> -> memref<2048x512xi32, #tpu.memory_space<hbm>>
      tpu.enqueue_indirect_dma source(%dma_start3A_88 : memref<2048x512xi32, #tpu.memory_space<hbm>>) target(%arg18 : memref<48x512xi32, #tpu.memory_space<vmem>>) offsets(%dma_start3A : memref<48xi32, #tpu.memory_space<vmem>>) semaphore(%arg22 : memref<!tpu.dma_semaphore, #tpu.memory_space<semaphore_mem>>)
    } else {
    }
    %add3A_36 = arith.constant 0 : i32
    %add3A_37 = arith.addi %mul3A_9, %add3A_36 : i32
    %lt3A_38 = arith.cmpi slt, %add3A_37, %mul3A_12 : i32
    %convert_element_type3A_39 = arith.extui %lt3A_38 : i1 to i32
    %cond3A_40 = arith.constant 0 : i32
    %cond3A_41 = arith.cmpi ne, %convert_element_type3A_39, %cond3A_40 : i32
    scf.if %cond3A_41 {
      %add3A_84 = arith.constant 0 : i32
      %add3A_85 = arith.addi %mul3A_9, %add3A_84 : i32
      %dma_wait3A = tpu.memref_slice %arg12[%add3A_85] : memref<6144xi32, #tpu.memory_space<vmem>> -> memref<48xi32, #tpu.memory_space<vmem>>
      %dma_wait3A_86 = arith.constant 0 : i32
      %dma_wait3A_87 = arith.constant 0 : i32
      %dma_wait3A_88 = tpu.memref_slice %arg7[%dma_wait3A_86, %dma_wait3A_87] : memref<2048x512xi32, #tpu.memory_space<hbm>> -> memref<2048x512xi32, #tpu.memory_space<hbm>>
      tpu.wait_indirect_dma semaphore(%arg19 : memref<!tpu.dma_semaphore, #tpu.memory_space<semaphore_mem>>) src(%dma_wait3A_88 : memref<2048x512xi32, #tpu.memory_space<hbm>>) dst(%arg15 : memref<48x512xi32, #tpu.memory_space<vmem>>)
      %add3A_89 = arith.constant 0 : i32
      %add3A_90 = arith.addi %mul3A_9, %add3A_89 : i32
      %dma_start3A = arith.constant 0 : i32
      %dma_start3A_91 = tpu.memref_slice %arg8[%add3A_90, %dma_start3A] : memref<6144x512xi32, #tpu.memory_space<hbm>> -> memref<48x512xi32, #tpu.memory_space<hbm>>
      %dma_start3A_92 = arith.constant 0 : i32
      %dma_start3A_93 = tpu.memref_slice %arg8[%add3A_90, %dma_start3A_92] : memref<6144x512xi32, #tpu.memory_space<hbm>> -> memref<48x512xi32, #tpu.memory_space<hbm>>
      tpu.enqueue_dma source(%arg15 : memref<48x512xi32, #tpu.memory_space<vmem>>) target(%dma_start3A_93 : memref<48x512xi32, #tpu.memory_space<hbm>>) target_semaphore(%arg23 : memref<!tpu.dma_semaphore, #tpu.memory_space<semaphore_mem>>)
    } else {
    }
    %add3A_42 = arith.constant 48 : i32
    %add3A_43 = arith.addi %mul3A_9, %add3A_42 : i32
    %lt3A_44 = arith.cmpi slt, %add3A_43, %mul3A_12 : i32
    %convert_element_type3A_45 = arith.extui %lt3A_44 : i1 to i32
    %cond3A_46 = arith.constant 0 : i32
    %cond3A_47 = arith.cmpi ne, %convert_element_type3A_45, %cond3A_46 : i32
    scf.if %cond3A_47 {
      %add3A_84 = arith.constant 48 : i32
      %add3A_85 = arith.addi %mul3A_9, %add3A_84 : i32
      %dma_wait3A = tpu.memref_slice %arg12[%add3A_85] : memref<6144xi32, #tpu.memory_space<vmem>> -> memref<48xi32, #tpu.memory_space<vmem>>
      %dma_wait3A_86 = arith.constant 0 : i32
      %dma_wait3A_87 = arith.constant 0 : i32
      %dma_wait3A_88 = tpu.memref_slice %arg7[%dma_wait3A_86, %dma_wait3A_87] : memref<2048x512xi32, #tpu.memory_space<hbm>> -> memref<2048x512xi32, #tpu.memory_space<hbm>>
      tpu.wait_indirect_dma semaphore(%arg20 : memref<!tpu.dma_semaphore, #tpu.memory_space<semaphore_mem>>) src(%dma_wait3A_88 : memref<2048x512xi32, #tpu.memory_space<hbm>>) dst(%arg16 : memref<48x512xi32, #tpu.memory_space<vmem>>)
      %add3A_89 = arith.constant 48 : i32
      %add3A_90 = arith.addi %mul3A_9, %add3A_89 : i32
      %dma_start3A = arith.constant 0 : i32
      %dma_start3A_91 = tpu.memref_slice %arg8[%add3A_90, %dma_start3A] : memref<6144x512xi32, #tpu.memory_space<hbm>> -> memref<48x512xi32, #tpu.memory_space<hbm>>
      %dma_start3A_92 = arith.constant 0 : i32
      %dma_start3A_93 = tpu.memref_slice %arg8[%add3A_90, %dma_start3A_92] : memref<6144x512xi32, #tpu.memory_space<hbm>> -> memref<48x512xi32, #tpu.memory_space<hbm>>
      tpu.enqueue_dma source(%arg16 : memref<48x512xi32, #tpu.memory_space<vmem>>) target(%dma_start3A_93 : memref<48x512xi32, #tpu.memory_space<hbm>>) target_semaphore(%arg24 : memref<!tpu.dma_semaphore, #tpu.memory_space<semaphore_mem>>)
    } else {
    }
    %add3A_48 = arith.constant 96 : i32
    %add3A_49 = arith.addi %mul3A_9, %add3A_48 : i32
    %lt3A_50 = arith.cmpi slt, %add3A_49, %mul3A_12 : i32
    %convert_element_type3A_51 = arith.extui %lt3A_50 : i1 to i32
    %cond3A_52 = arith.constant 0 : i32
    %cond3A_53 = arith.cmpi ne, %convert_element_type3A_51, %cond3A_52 : i32
    scf.if %cond3A_53 {
      %add3A_84 = arith.constant 96 : i32
      %add3A_85 = arith.addi %mul3A_9, %add3A_84 : i32
      %dma_wait3A = tpu.memref_slice %arg12[%add3A_85] : memref<6144xi32, #tpu.memory_space<vmem>> -> memref<48xi32, #tpu.memory_space<vmem>>
      %dma_wait3A_86 = arith.constant 0 : i32
      %dma_wait3A_87 = arith.constant 0 : i32
      %dma_wait3A_88 = tpu.memref_slice %arg7[%dma_wait3A_86, %dma_wait3A_87] : memref<2048x512xi32, #tpu.memory_space<hbm>> -> memref<2048x512xi32, #tpu.memory_space<hbm>>
      tpu.wait_indirect_dma semaphore(%arg21 : memref<!tpu.dma_semaphore, #tpu.memory_space<semaphore_mem>>) src(%dma_wait3A_88 : memref<2048x512xi32, #tpu.memory_space<hbm>>) dst(%arg17 : memref<48x512xi32, #tpu.memory_space<vmem>>)
      %add3A_89 = arith.constant 96 : i32
      %add3A_90 = arith.addi %mul3A_9, %add3A_89 : i32
      %dma_start3A = arith.constant 0 : i32
      %dma_start3A_91 = tpu.memref_slice %arg8[%add3A_90, %dma_start3A] : memref<6144x512xi32, #tpu.memory_space<hbm>> -> memref<48x512xi32, #tpu.memory_space<hbm>>
      %dma_start3A_92 = arith.constant 0 : i32
      %dma_start3A_93 = tpu.memref_slice %arg8[%add3A_90, %dma_start3A_92] : memref<6144x512xi32, #tpu.memory_space<hbm>> -> memref<48x512xi32, #tpu.memory_space<hbm>>
      tpu.enqueue_dma source(%arg17 : memref<48x512xi32, #tpu.memory_space<vmem>>) target(%dma_start3A_93 : memref<48x512xi32, #tpu.memory_space<hbm>>) target_semaphore(%arg25 : memref<!tpu.dma_semaphore, #tpu.memory_space<semaphore_mem>>)
    } else {
    }
    %add3A_54 = arith.constant 144 : i32
    %add3A_55 = arith.addi %mul3A_9, %add3A_54 : i32
    %lt3A_56 = arith.cmpi slt, %add3A_55, %mul3A_12 : i32
    %convert_element_type3A_57 = arith.extui %lt3A_56 : i1 to i32
    %cond3A_58 = arith.constant 0 : i32
    %cond3A_59 = arith.cmpi ne, %convert_element_type3A_57, %cond3A_58 : i32
    scf.if %cond3A_59 {
      %add3A_84 = arith.constant 144 : i32
      %add3A_85 = arith.addi %mul3A_9, %add3A_84 : i32
      %dma_wait3A = tpu.memref_slice %arg12[%add3A_85] : memref<6144xi32, #tpu.memory_space<vmem>> -> memref<48xi32, #tpu.memory_space<vmem>>
      %dma_wait3A_86 = arith.constant 0 : i32
      %dma_wait3A_87 = arith.constant 0 : i32
      %dma_wait3A_88 = tpu.memref_slice %arg7[%dma_wait3A_86, %dma_wait3A_87] : memref<2048x512xi32, #tpu.memory_space<hbm>> -> memref<2048x512xi32, #tpu.memory_space<hbm>>
      tpu.wait_indirect_dma semaphore(%arg22 : memref<!tpu.dma_semaphore, #tpu.memory_space<semaphore_mem>>) src(%dma_wait3A_88 : memref<2048x512xi32, #tpu.memory_space<hbm>>) dst(%arg18 : memref<48x512xi32, #tpu.memory_space<vmem>>)
      %add3A_89 = arith.constant 144 : i32
      %add3A_90 = arith.addi %mul3A_9, %add3A_89 : i32
      %dma_start3A = arith.constant 0 : i32
      %dma_start3A_91 = tpu.memref_slice %arg8[%add3A_90, %dma_start3A] : memref<6144x512xi32, #tpu.memory_space<hbm>> -> memref<48x512xi32, #tpu.memory_space<hbm>>
      %dma_start3A_92 = arith.constant 0 : i32
      %dma_start3A_93 = tpu.memref_slice %arg8[%add3A_90, %dma_start3A_92] : memref<6144x512xi32, #tpu.memory_space<hbm>> -> memref<48x512xi32, #tpu.memory_space<hbm>>
      tpu.enqueue_dma source(%arg18 : memref<48x512xi32, #tpu.memory_space<vmem>>) target(%dma_start3A_93 : memref<48x512xi32, #tpu.memory_space<hbm>>) target_semaphore(%arg26 : memref<!tpu.dma_semaphore, #tpu.memory_space<semaphore_mem>>)
    } else {
    }
    %add3A_60 = arith.constant 0 : i32
    %add3A_61 = arith.addi %mul3A_9, %add3A_60 : i32
    %lt3A_62 = arith.cmpi slt, %add3A_61, %mul3A_12 : i32
    %convert_element_type3A_63 = arith.extui %lt3A_62 : i1 to i32
    %cond3A_64 = arith.constant 0 : i32
    %cond3A_65 = arith.cmpi ne, %convert_element_type3A_63, %cond3A_64 : i32
    scf.if %cond3A_65 {
      %add3A_84 = arith.constant 0 : i32
      %add3A_85 = arith.addi %mul3A_9, %add3A_84 : i32
      %dma_wait3A = arith.constant 0 : i32
      %dma_wait3A_86 = tpu.memref_slice %arg8[%add3A_85, %dma_wait3A] : memref<6144x512xi32, #tpu.memory_space<hbm>> -> memref<48x512xi32, #tpu.memory_space<hbm>>
      %dma_wait3A_87 = arith.constant 0 : i32
      %dma_wait3A_88 = tpu.memref_slice %arg8[%add3A_85, %dma_wait3A_87] : memref<6144x512xi32, #tpu.memory_space<hbm>> -> memref<48x512xi32, #tpu.memory_space<hbm>>
      tpu.wait_dma2 semaphore(%arg23 : memref<!tpu.dma_semaphore, #tpu.memory_space<semaphore_mem>>) src(%arg15 : memref<48x512xi32, #tpu.memory_space<vmem>>) dst(%dma_wait3A_88 : memref<48x512xi32, #tpu.memory_space<hbm>>)
    } else {
    }
    %add3A_66 = arith.constant 48 : i32
    %add3A_67 = arith.addi %mul3A_9, %add3A_66 : i32
    %lt3A_68 = arith.cmpi slt, %add3A_67, %mul3A_12 : i32
    %convert_element_type3A_69 = arith.extui %lt3A_68 : i1 to i32
    %cond3A_70 = arith.constant 0 : i32
    %cond3A_71 = arith.cmpi ne, %convert_element_type3A_69, %cond3A_70 : i32
    scf.if %cond3A_71 {
      %add3A_84 = arith.constant 48 : i32
      %add3A_85 = arith.addi %mul3A_9, %add3A_84 : i32
      %dma_wait3A = arith.constant 0 : i32
      %dma_wait3A_86 = tpu.memref_slice %arg8[%add3A_85, %dma_wait3A] : memref<6144x512xi32, #tpu.memory_space<hbm>> -> memref<48x512xi32, #tpu.memory_space<hbm>>
      %dma_wait3A_87 = arith.constant 0 : i32
      %dma_wait3A_88 = tpu.memref_slice %arg8[%add3A_85, %dma_wait3A_87] : memref<6144x512xi32, #tpu.memory_space<hbm>> -> memref<48x512xi32, #tpu.memory_space<hbm>>
      tpu.wait_dma2 semaphore(%arg24 : memref<!tpu.dma_semaphore, #tpu.memory_space<semaphore_mem>>) src(%arg16 : memref<48x512xi32, #tpu.memory_space<vmem>>) dst(%dma_wait3A_88 : memref<48x512xi32, #tpu.memory_space<hbm>>)
    } else {
    }
    %add3A_72 = arith.constant 96 : i32
    %add3A_73 = arith.addi %mul3A_9, %add3A_72 : i32
    %lt3A_74 = arith.cmpi slt, %add3A_73, %mul3A_12 : i32
    %convert_element_type3A_75 = arith.extui %lt3A_74 : i1 to i32
    %cond3A_76 = arith.constant 0 : i32
    %cond3A_77 = arith.cmpi ne, %convert_element_type3A_75, %cond3A_76 : i32
    scf.if %cond3A_77 {
      %add3A_84 = arith.constant 96 : i32
      %add3A_85 = arith.addi %mul3A_9, %add3A_84 : i32
      %dma_wait3A = arith.constant 0 : i32
      %dma_wait3A_86 = tpu.memref_slice %arg8[%add3A_85, %dma_wait3A] : memref<6144x512xi32, #tpu.memory_space<hbm>> -> memref<48x512xi32, #tpu.memory_space<hbm>>
      %dma_wait3A_87 = arith.constant 0 : i32
      %dma_wait3A_88 = tpu.memref_slice %arg8[%add3A_85, %dma_wait3A_87] : memref<6144x512xi32, #tpu.memory_space<hbm>> -> memref<48x512xi32, #tpu.memory_space<hbm>>
      tpu.wait_dma2 semaphore(%arg25 : memref<!tpu.dma_semaphore, #tpu.memory_space<semaphore_mem>>) src(%arg17 : memref<48x512xi32, #tpu.memory_space<vmem>>) dst(%dma_wait3A_88 : memref<48x512xi32, #tpu.memory_space<hbm>>)
    } else {
    }
    %add3A_78 = arith.constant 144 : i32
    %add3A_79 = arith.addi %mul3A_9, %add3A_78 : i32
    %lt3A_80 = arith.cmpi slt, %add3A_79, %mul3A_12 : i32
    %convert_element_type3A_81 = arith.extui %lt3A_80 : i1 to i32
    %cond3A_82 = arith.constant 0 : i32
    %cond3A_83 = arith.cmpi ne, %convert_element_type3A_81, %cond3A_82 : i32
    scf.if %cond3A_83 {
      %add3A_84 = arith.constant 144 : i32
      %add3A_85 = arith.addi %mul3A_9, %add3A_84 : i32
      %dma_wait3A = arith.constant 0 : i32
      %dma_wait3A_86 = tpu.memref_slice %arg8[%add3A_85, %dma_wait3A] : memref<6144x512xi32, #tpu.memory_space<hbm>> -> memref<48x512xi32, #tpu.memory_space<hbm>>
      %dma_wait3A_87 = arith.constant 0 : i32
      %dma_wait3A_88 = tpu.memref_slice %arg8[%add3A_85, %dma_wait3A_87] : memref<6144x512xi32, #tpu.memory_space<hbm>> -> memref<48x512xi32, #tpu.memory_space<hbm>>
      tpu.wait_dma2 semaphore(%arg26 : memref<!tpu.dma_semaphore, #tpu.memory_space<semaphore_mem>>) src(%arg18 : memref<48x512xi32, #tpu.memory_space<vmem>>) dst(%dma_wait3A_88 : memref<48x512xi32, #tpu.memory_space<hbm>>)
    } else {
    }
    return
  }
}

#map = affine_map<(d0, d1) -> (0, 0)>
#map1 = affine_map<(d0, d1) -> (0)>
module attributes {stable_mosaic.version = 14 : i64} {
  func.func @_sc_combine_body(%arg0: i32, %arg1: i32, %arg2: memref<6144x1024xf32, #tpu.memory_space<hbm>>, %arg3: memref<2048xi32, #tpu.memory_space<hbm>>, %arg4: memref<2048x1024xf32, #tpu.memory_space<hbm>>, %arg5: memref<64xi32, #tpu.memory_space<vmem>>, %arg6: memref<64xi32, #tpu.memory_space<vmem>>, %arg7: memref<32x1024xf32, #tpu.memory_space<vmem>>, %arg8: memref<32x1024xf32, #tpu.memory_space<vmem>>, %arg9: memref<!tpu.dma_semaphore, #tpu.memory_space<semaphore_mem>>, %arg10: memref<!tpu.dma_semaphore, #tpu.memory_space<semaphore_mem>>) attributes {dimension_semantics = [#tpu.dimension_semantics<core_parallel>, #tpu.dimension_semantics<subcore_parallel>], iteration_bounds = array<i64: 2, 16>, scalar_prefetch = 0 : i64, scratch_operands = 6 : i64, tpu.core_type = #tpu.core_type<sc_vector_subcore>, window_params = [{transform_indices = #map}, {transform_indices = #map1}, {transform_indices = #map}]} {
    %mul3A = arith.constant 2 : i32
    %mul3A_0 = arith.muli %arg1, %mul3A : i32
    %add3A = arith.addi %mul3A_0, %arg0 : i32
    %mul3A_1 = arith.constant 64 : i32
    %mul3A_2 = arith.muli %add3A, %mul3A_1 : i32
    "tpu.region"() ({
      %run_scoped3A = tpu.sem_alloc : memref<!tpu.dma_semaphore, #tpu.memory_space<semaphore_mem>>
      %dma_start3A_58 = tpu.memref_slice %arg3[%mul3A_2] : memref<2048xi32, #tpu.memory_space<hbm>> -> memref<64xi32, #tpu.memory_space<hbm>>
      %dma_start3A_59 = tpu.memref_slice %arg3[%mul3A_2] : memref<2048xi32, #tpu.memory_space<hbm>> -> memref<64xi32, #tpu.memory_space<hbm>>
      tpu.enqueue_dma source(%dma_start3A_59 : memref<64xi32, #tpu.memory_space<hbm>>) target(%arg5 : memref<64xi32, #tpu.memory_space<vmem>>) target_semaphore(%run_scoped3A : memref<!tpu.dma_semaphore, #tpu.memory_space<semaphore_mem>>)
      %dma_wait3A_60 = tpu.memref_slice %arg3[%mul3A_2] : memref<2048xi32, #tpu.memory_space<hbm>> -> memref<64xi32, #tpu.memory_space<hbm>>
      %dma_wait3A_61 = tpu.memref_slice %arg3[%mul3A_2] : memref<2048xi32, #tpu.memory_space<hbm>> -> memref<64xi32, #tpu.memory_space<hbm>>
      tpu.wait_dma2 semaphore(%run_scoped3A : memref<!tpu.dma_semaphore, #tpu.memory_space<semaphore_mem>>) src(%dma_wait3A_61 : memref<64xi32, #tpu.memory_space<hbm>>) dst(%arg5 : memref<64xi32, #tpu.memory_space<vmem>>)
      tpu.yield
    }) : () -> ()
    %add3A_3 = arith.constant 2048 : i32
    %add3A_4 = arith.addi %add3A_3, %mul3A_2 : i32
    "tpu.region"() ({
      %run_scoped3A = tpu.sem_alloc : memref<!tpu.dma_semaphore, #tpu.memory_space<semaphore_mem>>
      %dma_start3A_58 = tpu.memref_slice %arg3[%add3A_4] : memref<2048xi32, #tpu.memory_space<hbm>> -> memref<64xi32, #tpu.memory_space<hbm>>
      %dma_start3A_59 = tpu.memref_slice %arg3[%add3A_4] : memref<2048xi32, #tpu.memory_space<hbm>> -> memref<64xi32, #tpu.memory_space<hbm>>
      tpu.enqueue_dma source(%dma_start3A_59 : memref<64xi32, #tpu.memory_space<hbm>>) target(%arg6 : memref<64xi32, #tpu.memory_space<vmem>>) target_semaphore(%run_scoped3A : memref<!tpu.dma_semaphore, #tpu.memory_space<semaphore_mem>>)
      %dma_wait3A_60 = tpu.memref_slice %arg3[%add3A_4] : memref<2048xi32, #tpu.memory_space<hbm>> -> memref<64xi32, #tpu.memory_space<hbm>>
      %dma_wait3A_61 = tpu.memref_slice %arg3[%add3A_4] : memref<2048xi32, #tpu.memory_space<hbm>> -> memref<64xi32, #tpu.memory_space<hbm>>
      tpu.wait_dma2 semaphore(%run_scoped3A : memref<!tpu.dma_semaphore, #tpu.memory_space<semaphore_mem>>) src(%dma_wait3A_61 : memref<64xi32, #tpu.memory_space<hbm>>) dst(%arg6 : memref<64xi32, #tpu.memory_space<vmem>>)
      tpu.yield
    }) : () -> ()
    %dma_start3A = arith.constant 0 : i32
    %dma_start3A_5 = tpu.memref_slice %arg5[%dma_start3A] : memref<64xi32, #tpu.memory_space<vmem>> -> memref<32xi32, #tpu.memory_space<vmem>>
    %dma_start3A_6 = arith.constant 0 : i32
    %dma_start3A_7 = arith.constant 0 : i32
    %dma_start3A_8 = tpu.memref_slice %arg2[%dma_start3A_6, %dma_start3A_7] : memref<6144x1024xf32, #tpu.memory_space<hbm>> -> memref<6144x1024xf32, #tpu.memory_space<hbm>>
    tpu.enqueue_indirect_dma source(%dma_start3A_8 : memref<6144x1024xf32, #tpu.memory_space<hbm>>) target(%arg7 : memref<32x1024xf32, #tpu.memory_space<vmem>>) offsets(%dma_start3A_5 : memref<32xi32, #tpu.memory_space<vmem>>) semaphore(%arg9 : memref<!tpu.dma_semaphore, #tpu.memory_space<semaphore_mem>>)
    %dma_start3A_9 = arith.constant 0 : i32
    %dma_start3A_10 = tpu.memref_slice %arg6[%dma_start3A_9] : memref<64xi32, #tpu.memory_space<vmem>> -> memref<32xi32, #tpu.memory_space<vmem>>
    %dma_start3A_11 = arith.constant 0 : i32
    %dma_start3A_12 = arith.constant 0 : i32
    %dma_start3A_13 = tpu.memref_slice %arg2[%dma_start3A_11, %dma_start3A_12] : memref<6144x1024xf32, #tpu.memory_space<hbm>> -> memref<6144x1024xf32, #tpu.memory_space<hbm>>
    tpu.enqueue_indirect_dma source(%dma_start3A_13 : memref<6144x1024xf32, #tpu.memory_space<hbm>>) target(%arg8 : memref<32x1024xf32, #tpu.memory_space<vmem>>) offsets(%dma_start3A_10 : memref<32xi32, #tpu.memory_space<vmem>>) semaphore(%arg10 : memref<!tpu.dma_semaphore, #tpu.memory_space<semaphore_mem>>)
    %dma_wait3A = arith.constant 0 : i32
    %dma_wait3A_14 = tpu.memref_slice %arg5[%dma_wait3A] : memref<64xi32, #tpu.memory_space<vmem>> -> memref<32xi32, #tpu.memory_space<vmem>>
    %dma_wait3A_15 = arith.constant 0 : i32
    %dma_wait3A_16 = arith.constant 0 : i32
    %dma_wait3A_17 = tpu.memref_slice %arg2[%dma_wait3A_15, %dma_wait3A_16] : memref<6144x1024xf32, #tpu.memory_space<hbm>> -> memref<6144x1024xf32, #tpu.memory_space<hbm>>
    tpu.wait_indirect_dma semaphore(%arg9 : memref<!tpu.dma_semaphore, #tpu.memory_space<semaphore_mem>>) src(%dma_wait3A_17 : memref<6144x1024xf32, #tpu.memory_space<hbm>>) dst(%arg7 : memref<32x1024xf32, #tpu.memory_space<vmem>>)
    %dma_wait3A_18 = arith.constant 0 : i32
    %dma_wait3A_19 = tpu.memref_slice %arg6[%dma_wait3A_18] : memref<64xi32, #tpu.memory_space<vmem>> -> memref<32xi32, #tpu.memory_space<vmem>>
    %dma_wait3A_20 = arith.constant 0 : i32
    %dma_wait3A_21 = arith.constant 0 : i32
    %dma_wait3A_22 = tpu.memref_slice %arg2[%dma_wait3A_20, %dma_wait3A_21] : memref<6144x1024xf32, #tpu.memory_space<hbm>> -> memref<6144x1024xf32, #tpu.memory_space<hbm>>
    tpu.wait_indirect_dma semaphore(%arg10 : memref<!tpu.dma_semaphore, #tpu.memory_space<semaphore_mem>>) src(%dma_wait3A_22 : memref<6144x1024xf32, #tpu.memory_space<hbm>>) dst(%arg8 : memref<32x1024xf32, #tpu.memory_space<vmem>>)
    %scan3A = arith.constant 0 : i32
    %scan3A_23 = arith.constant 0 : i32
    %scan3A_24 = arith.constant 2048 : i32
    %scan3A_25 = arith.addi %scan3A_23, %scan3A_24 : i32
    %scan3A_26 = arith.constant 1 : i32
    scf.for %scan3A_58 = %scan3A_23 to %scan3A_25 step %scan3A_26  : i32 {
      %shift_right_arithmetic3A = arith.constant 6 : i32
      %shift_right_arithmetic3A_59 = arith.shrsi %scan3A_58, %shift_right_arithmetic3A : i32
      %and3A = arith.constant 63 : i32
      %and3A_60 = arith.andi %scan3A_58, %and3A : i32
      %mul3A_61 = arith.constant 16 : i32
      %mul3A_62 = arith.muli %and3A_60, %mul3A_61 : i32
      %get3A = arith.index_cast %shift_right_arithmetic3A_59 : i32 to index
      %get3A_63 = arith.index_cast %mul3A_62 : i32 to index
      %get3A_64 = tpu.vector_load %arg7[%get3A, %get3A_63] {strides = array<i32>} : memref<32x1024xf32, #tpu.memory_space<vmem>>, vector<16xf32>,
      %get3A_65 = arith.index_cast %shift_right_arithmetic3A_59 : i32 to index
      %get3A_66 = arith.index_cast %mul3A_62 : i32 to index
      %get3A_67 = tpu.vector_load %arg8[%get3A_65, %get3A_66] {strides = array<i32>} : memref<32x1024xf32, #tpu.memory_space<vmem>>, vector<16xf32>,
      %add3A_68 = arith.addf %get3A_64, %get3A_67 : vector<16xf32>
      %swap3A = arith.index_cast %shift_right_arithmetic3A_59 : i32 to index
      %swap3A_69 = arith.index_cast %mul3A_62 : i32 to index
      %swap3A_70 = tpu.vector_load %arg7[%swap3A, %swap3A_69] {strides = array<i32>} : memref<32x1024xf32, #tpu.memory_space<vmem>>, vector<16xf32>,
      tpu.vector_store %arg7[%swap3A, %swap3A_69], %add3A_68 {strides = array<i32>} : memref<32x1024xf32, #tpu.memory_space<vmem>>, vector<16xf32>,
    }
    %scan3A_27 = arith.constant 2048 : i32
    %add3A_28 = arith.constant 0 : i32
    %add3A_29 = arith.addi %mul3A_2, %add3A_28 : i32
    "tpu.region"() ({
      %run_scoped3A = tpu.sem_alloc : memref<!tpu.dma_semaphore, #tpu.memory_space<semaphore_mem>>
      %dma_start3A_58 = arith.constant 0 : i32
      %dma_start3A_59 = tpu.memref_slice %arg4[%add3A_29, %dma_start3A_58] : memref<2048x1024xf32, #tpu.memory_space<hbm>> -> memref<32x1024xf32, #tpu.memory_space<hbm>>
      %dma_start3A_60 = arith.constant 0 : i32
      %dma_start3A_61 = tpu.memref_slice %arg4[%add3A_29, %dma_start3A_60] : memref<2048x1024xf32, #tpu.memory_space<hbm>> -> memref<32x1024xf32, #tpu.memory_space<hbm>>
      tpu.enqueue_dma source(%arg7 : memref<32x1024xf32, #tpu.memory_space<vmem>>) target(%dma_start3A_61 : memref<32x1024xf32, #tpu.memory_space<hbm>>) target_semaphore(%run_scoped3A : memref<!tpu.dma_semaphore, #tpu.memory_space<semaphore_mem>>)
      %dma_wait3A_62 = arith.constant 0 : i32
      %dma_wait3A_63 = tpu.memref_slice %arg4[%add3A_29, %dma_wait3A_62] : memref<2048x1024xf32, #tpu.memory_space<hbm>> -> memref<32x1024xf32, #tpu.memory_space<hbm>>
      %dma_wait3A_64 = arith.constant 0 : i32
      %dma_wait3A_65 = tpu.memref_slice %arg4[%add3A_29, %dma_wait3A_64] : memref<2048x1024xf32, #tpu.memory_space<hbm>> -> memref<32x1024xf32, #tpu.memory_space<hbm>>
      tpu.wait_dma2 semaphore(%run_scoped3A : memref<!tpu.dma_semaphore, #tpu.memory_space<semaphore_mem>>) src(%arg7 : memref<32x1024xf32, #tpu.memory_space<vmem>>) dst(%dma_wait3A_65 : memref<32x1024xf32, #tpu.memory_space<hbm>>)
      tpu.yield
    }) : () -> ()
    %dma_start3A_30 = arith.constant 32 : i32
    %dma_start3A_31 = tpu.memref_slice %arg5[%dma_start3A_30] : memref<64xi32, #tpu.memory_space<vmem>> -> memref<32xi32, #tpu.memory_space<vmem>>
    %dma_start3A_32 = arith.constant 0 : i32
    %dma_start3A_33 = arith.constant 0 : i32
    %dma_start3A_34 = tpu.memref_slice %arg2[%dma_start3A_32, %dma_start3A_33] : memref<6144x1024xf32, #tpu.memory_space<hbm>> -> memref<6144x1024xf32, #tpu.memory_space<hbm>>
    tpu.enqueue_indirect_dma source(%dma_start3A_34 : memref<6144x1024xf32, #tpu.memory_space<hbm>>) target(%arg7 : memref<32x1024xf32, #tpu.memory_space<vmem>>) offsets(%dma_start3A_31 : memref<32xi32, #tpu.memory_space<vmem>>) semaphore(%arg9 : memref<!tpu.dma_semaphore, #tpu.memory_space<semaphore_mem>>)
    %dma_start3A_35 = arith.constant 32 : i32
    %dma_start3A_36 = tpu.memref_slice %arg6[%dma_start3A_35] : memref<64xi32, #tpu.memory_space<vmem>> -> memref<32xi32, #tpu.memory_space<vmem>>
    %dma_start3A_37 = arith.constant 0 : i32
    %dma_start3A_38 = arith.constant 0 : i32
    %dma_start3A_39 = tpu.memref_slice %arg2[%dma_start3A_37, %dma_start3A_38] : memref<6144x1024xf32, #tpu.memory_space<hbm>> -> memref<6144x1024xf32, #tpu.memory_space<hbm>>
    tpu.enqueue_indirect_dma source(%dma_start3A_39 : memref<6144x1024xf32, #tpu.memory_space<hbm>>) target(%arg8 : memref<32x1024xf32, #tpu.memory_space<vmem>>) offsets(%dma_start3A_36 : memref<32xi32, #tpu.memory_space<vmem>>) semaphore(%arg10 : memref<!tpu.dma_semaphore, #tpu.memory_space<semaphore_mem>>)
    %dma_wait3A_40 = arith.constant 32 : i32
    %dma_wait3A_41 = tpu.memref_slice %arg5[%dma_wait3A_40] : memref<64xi32, #tpu.memory_space<vmem>> -> memref<32xi32, #tpu.memory_space<vmem>>
    %dma_wait3A_42 = arith.constant 0 : i32
    %dma_wait3A_43 = arith.constant 0 : i32
    %dma_wait3A_44 = tpu.memref_slice %arg2[%dma_wait3A_42, %dma_wait3A_43] : memref<6144x1024xf32, #tpu.memory_space<hbm>> -> memref<6144x1024xf32, #tpu.memory_space<hbm>>
    tpu.wait_indirect_dma semaphore(%arg9 : memref<!tpu.dma_semaphore, #tpu.memory_space<semaphore_mem>>) src(%dma_wait3A_44 : memref<6144x1024xf32, #tpu.memory_space<hbm>>) dst(%arg7 : memref<32x1024xf32, #tpu.memory_space<vmem>>)
    %dma_wait3A_45 = arith.constant 32 : i32
    %dma_wait3A_46 = tpu.memref_slice %arg6[%dma_wait3A_45] : memref<64xi32, #tpu.memory_space<vmem>> -> memref<32xi32, #tpu.memory_space<vmem>>
    %dma_wait3A_47 = arith.constant 0 : i32
    %dma_wait3A_48 = arith.constant 0 : i32
    %dma_wait3A_49 = tpu.memref_slice %arg2[%dma_wait3A_47, %dma_wait3A_48] : memref<6144x1024xf32, #tpu.memory_space<hbm>> -> memref<6144x1024xf32, #tpu.memory_space<hbm>>
    tpu.wait_indirect_dma semaphore(%arg10 : memref<!tpu.dma_semaphore, #tpu.memory_space<semaphore_mem>>) src(%dma_wait3A_49 : memref<6144x1024xf32, #tpu.memory_space<hbm>>) dst(%arg8 : memref<32x1024xf32, #tpu.memory_space<vmem>>)
    %scan3A_50 = arith.constant 0 : i32
    %scan3A_51 = arith.constant 0 : i32
    %scan3A_52 = arith.constant 2048 : i32
    %scan3A_53 = arith.addi %scan3A_51, %scan3A_52 : i32
    %scan3A_54 = arith.constant 1 : i32
    scf.for %scan3A_58 = %scan3A_51 to %scan3A_53 step %scan3A_54  : i32 {
      %shift_right_arithmetic3A = arith.constant 6 : i32
      %shift_right_arithmetic3A_59 = arith.shrsi %scan3A_58, %shift_right_arithmetic3A : i32
      %and3A = arith.constant 63 : i32
      %and3A_60 = arith.andi %scan3A_58, %and3A : i32
      %mul3A_61 = arith.constant 16 : i32
      %mul3A_62 = arith.muli %and3A_60, %mul3A_61 : i32
      %get3A = arith.index_cast %shift_right_arithmetic3A_59 : i32 to index
      %get3A_63 = arith.index_cast %mul3A_62 : i32 to index
      %get3A_64 = tpu.vector_load %arg7[%get3A, %get3A_63] {strides = array<i32>} : memref<32x1024xf32, #tpu.memory_space<vmem>>, vector<16xf32>,
      %get3A_65 = arith.index_cast %shift_right_arithmetic3A_59 : i32 to index
      %get3A_66 = arith.index_cast %mul3A_62 : i32 to index
      %get3A_67 = tpu.vector_load %arg8[%get3A_65, %get3A_66] {strides = array<i32>} : memref<32x1024xf32, #tpu.memory_space<vmem>>, vector<16xf32>,
      %add3A_68 = arith.addf %get3A_64, %get3A_67 : vector<16xf32>
      %swap3A = arith.index_cast %shift_right_arithmetic3A_59 : i32 to index
      %swap3A_69 = arith.index_cast %mul3A_62 : i32 to index
      %swap3A_70 = tpu.vector_load %arg7[%swap3A, %swap3A_69] {strides = array<i32>} : memref<32x1024xf32, #tpu.memory_space<vmem>>, vector<16xf32>,
      tpu.vector_store %arg7[%swap3A, %swap3A_69], %add3A_68 {strides = array<i32>} : memref<32x1024xf32, #tpu.memory_space<vmem>>, vector<16xf32>,
    }
    %scan3A_55 = arith.constant 2048 : i32
    %add3A_56 = arith.constant 32 : i32
    %add3A_57 = arith.addi %mul3A_2, %add3A_56 : i32
    "tpu.region"() ({
      %run_scoped3A = tpu.sem_alloc : memref<!tpu.dma_semaphore, #tpu.memory_space<semaphore_mem>>
      %dma_start3A_58 = arith.constant 0 : i32
      %dma_start3A_59 = tpu.memref_slice %arg4[%add3A_57, %dma_start3A_58] : memref<2048x1024xf32, #tpu.memory_space<hbm>> -> memref<32x1024xf32, #tpu.memory_space<hbm>>
      %dma_start3A_60 = arith.constant 0 : i32
      %dma_start3A_61 = tpu.memref_slice %arg4[%add3A_57, %dma_start3A_60] : memref<2048x1024xf32, #tpu.memory_space<hbm>> -> memref<32x1024xf32, #tpu.memory_space<hbm>>
      tpu.enqueue_dma source(%arg7 : memref<32x1024xf32, #tpu.memory_space<vmem>>) target(%dma_start3A_61 : memref<32x1024xf32, #tpu.memory_space<hbm>>) target_semaphore(%run_scoped3A : memref<!tpu.dma_semaphore, #tpu.memory_space<semaphore_mem>>)
      %dma_wait3A_62 = arith.constant 0 : i32
      %dma_wait3A_63 = tpu.memref_slice %arg4[%add3A_57, %dma_wait3A_62] : memref<2048x1024xf32, #tpu.memory_space<hbm>> -> memref<32x1024xf32, #tpu.memory_space<hbm>>
      %dma_wait3A_64 = arith.constant 0 : i32
      %dma_wait3A_65 = tpu.memref_slice %arg4[%add3A_57, %dma_wait3A_64] : memref<2048x1024xf32, #tpu.memory_space<hbm>> -> memref<32x1024xf32, #tpu.memory_space<hbm>>
      tpu.wait_dma2 semaphore(%run_scoped3A : memref<!tpu.dma_semaphore, #tpu.memory_space<semaphore_mem>>) src(%arg7 : memref<32x1024xf32, #tpu.memory_space<vmem>>) dst(%dma_wait3A_65 : memref<32x1024xf32, #tpu.memory_space<hbm>>)
      tpu.yield
    }) : () -> ()
    return
  }
}

module attributes {stable_mosaic.version = 14 : i64} {
  func.func @_dispatch_body(%arg0: i32, %arg1: memref<512x128xf32, #tpu.memory_space<vmem>>, %arg2: memref<512x128xf32, #tpu.memory_space<vmem>>, %arg3: memref<8x128xf32, #tpu.memory_space<vmem>>, %arg4: memref<1x128xf32, #tpu.memory_space<vmem>>) attributes {dimension_semantics = [#tpu.dimension_semantics<arbitrary>], iteration_bounds = array<i64: 4>, scalar_prefetch = 0 : i64, scratch_operands = 1 : i64, tpu.core_type = #tpu.core_type<tc>, window_params = [{transform_indices = @transform_0, window_bounds = array<i64: 512, 128>}, {transform_indices = @transform_1, window_bounds = array<i64: 512, 128>}, {pipeline_mode = #tpu.pipeline_mode<synchronous>, transform_indices = @transform_2, window_bounds = array<i64: 8, 128>}]} {
    %jit3A = arith.constant 4 : i32
    %div3A = arith.divsi %arg0, %jit3A : i32
    %sign3A = arith.constant 0 : i32
    %sign3A_0 = arith.cmpi sgt, %arg0, %sign3A : i32
    %sign3A_1 = arith.extui %sign3A_0 : i1 to i32
    %sign3A_2 = arith.constant 0 : i32
    %sign3A_3 = arith.cmpi slt, %arg0, %sign3A_2 : i32
    %sign3A_4 = arith.extui %sign3A_3 : i1 to i32
    %sign3A_5 = arith.subi %sign3A_1, %sign3A_4 : i32
    %sign3A_6 = arith.constant 0 : i32
    %sign3A_7 = arith.cmpi sgt, %jit3A, %sign3A_6 : i32
    %sign3A_8 = arith.extui %sign3A_7 : i1 to i32
    %sign3A_9 = arith.constant 0 : i32
    %sign3A_10 = arith.cmpi slt, %jit3A, %sign3A_9 : i32
    %sign3A_11 = arith.extui %sign3A_10 : i1 to i32
    %sign3A_12 = arith.subi %sign3A_8, %sign3A_11 : i32
    %ne3A = arith.cmpi ne, %sign3A_5, %sign3A_12 : i32
    %rem3A = arith.remsi %arg0, %jit3A : i32
    %ne3A_13 = arith.constant 0 : i32
    %ne3A_14 = arith.cmpi ne, %rem3A, %ne3A_13 : i32
    %and3A = arith.andi %ne3A, %ne3A_14 : i1
    %sub3A = arith.constant 1 : i32
    %sub3A_15 = arith.subi %div3A, %sub3A : i32
    %select_n3A = arith.select %and3A, %sub3A_15, %div3A : i32
    %get3A = arith.constant 0 : index
    %get3A_16 = arith.constant 0 : index
    %get3A_17 = vector.load %arg1[%get3A, %get3A_16] : memref<512x128xf32, #tpu.memory_space<vmem>>, vector<512x128xf32>
    %iota3A = tpu.iota {dimensions = array<i32: 1>} : vector<512x128xi32>
    %add3A = arith.constant 2 : i32
    %add3A_18 = arith.addi %add3A, %select_n3A : i32
    %eq3A = vector.broadcast %add3A_18 : i32 to vector<512x128xi32>
    %eq3A_19 = arith.cmpi eq, %iota3A, %eq3A : vector<512x128xi32>
    %jit3A_20 = arith.constant 0.000000e+00 : f32
    %broadcast_in_dim3A = vector.broadcast %jit3A_20 : f32 to vector<512x128xf32>
    %select_n3A_21 = arith.select %eq3A_19, %get3A_17, %broadcast_in_dim3A : vector<512x128xi1>, vector<512x128xf32>
    %reduce_sum3A = arith.constant dense<0.000000e+00> : vector<512xf32>
    %reduce_sum3A_22 = vector.multi_reduction <add>, %select_n3A_21, %reduce_sum3A [1] : vector<512x128xf32> to vector<512xf32>
    %broadcast_in_dim3A_23 = vector.shape_cast %reduce_sum3A_22 : vector<512xf32> to vector<512x1xf32>
    %convert_element_type3A = arith.fptosi %broadcast_in_dim3A_23 : vector<512x1xf32> to vector<512x1xi32>
    %eq3A_24 = vector.broadcast %select_n3A : i32 to vector<512x128xi32>
    %eq3A_25 = arith.cmpi eq, %iota3A, %eq3A_24 : vector<512x128xi32>
    %jit3A_26 = arith.constant 0.000000e+00 : f32
    %broadcast_in_dim3A_27 = vector.broadcast %jit3A_26 : f32 to vector<512x128xf32>
    %select_n3A_28 = arith.select %eq3A_25, %get3A_17, %broadcast_in_dim3A_27 : vector<512x128xi1>, vector<512x128xf32>
    %reduce_sum3A_29 = arith.constant dense<0.000000e+00> : vector<512xf32>
    %reduce_sum3A_30 = vector.multi_reduction <add>, %select_n3A_28, %reduce_sum3A_29 [1] : vector<512x128xf32> to vector<512xf32>
    %broadcast_in_dim3A_31 = vector.shape_cast %reduce_sum3A_30 : vector<512xf32> to vector<512x1xf32>
    %eq3A_32 = vector.broadcast %convert_element_type3A : vector<512x1xi32> to vector<512x128xi32>
    %eq3A_33 = arith.cmpi eq, %iota3A, %eq3A_32 : vector<512x128xi32>
    %convert_element_type3A_34 = arith.extui %eq3A_33 : vector<512x128xi1> to vector<512x128xi32>
    %convert_element_type3A_35 = arith.sitofp %convert_element_type3A_34 : vector<512x128xi32> to vector<512x128xf32>
    %iota3A_36 = tpu.iota {dimensions = array<i32: 0>} : vector<512x512xi32>
    %iota3A_37 = tpu.iota {dimensions = array<i32: 1>} : vector<512x512xi32>
    %lt3A = arith.cmpi slt, %iota3A_37, %iota3A_36 : vector<512x512xi32>
    %convert_element_type3A_38 = arith.extui %lt3A : vector<512x512xi1> to vector<512x512xi32>
    %convert_element_type3A_39 = arith.sitofp %convert_element_type3A_38 : vector<512x512xi32> to vector<512x512xf32>
    %dot_general3A = arith.constant dense<0.000000e+00> : vector<512x128xf32>
    %dot_general3A_40 = tpu.matmul %convert_element_type3A_39, %convert_element_type3A_35, %dot_general3A {dimension_numbers = #tpu.dot_dimension_numbers<[1], [0], [0], [1], [0, 0, 1, 1], [], []>, transpose_lhs_hint = false} : vector<512x512xf32>, vector<512x128xf32>, vector<512x128xf32> -> vector<512x128xf32>
    %eq3A_41 = arith.constant 0 : i32
    %eq3A_42 = arith.cmpi eq, %arg0, %eq3A_41 : i32
    %broadcast_in_dim3A_43 = arith.constant 0.000000e+00 : f32
    %broadcast_in_dim3A_44 = vector.broadcast %broadcast_in_dim3A_43 : f32 to vector<1x128xf32>
    %get3A_45 = arith.constant 0 : index
    %get3A_46 = arith.constant 0 : index
    %get3A_47 = vector.load %arg4[%get3A_45, %get3A_46] : memref<1x128xf32, #tpu.memory_space<vmem>>, vector<1x128xf32>
    %select_n3A_48 = arith.select %eq3A_42, %broadcast_in_dim3A_44, %get3A_47 : vector<1x128xf32>
    %add3A_49 = vector.broadcast %select_n3A_48 : vector<1x128xf32> to vector<512x128xf32>
    %add3A_50 = arith.addf %dot_general3A_40, %add3A_49 : vector<512x128xf32>
    %mul3A = arith.mulf %convert_element_type3A_35, %add3A_50 : vector<512x128xf32>
    %reduce_sum3A_51 = arith.constant dense<0.000000e+00> : vector<512xf32>
    %reduce_sum3A_52 = vector.multi_reduction <add>, %mul3A, %reduce_sum3A_51 [1] : vector<512x128xf32> to vector<512xf32>
    %broadcast_in_dim3A_53 = vector.shape_cast %reduce_sum3A_52 : vector<512xf32> to vector<512x1xf32>
    %eq3A_54 = arith.constant 0 : i32
    %eq3A_55 = vector.broadcast %eq3A_54 : i32 to vector<512x128xi32>
    %eq3A_56 = arith.cmpi eq, %iota3A, %eq3A_55 : vector<512x128xi32>
    %eq3A_57 = arith.constant 1 : i32
    %eq3A_58 = vector.broadcast %eq3A_57 : i32 to vector<512x128xi32>
    %eq3A_59 = arith.cmpi eq, %iota3A, %eq3A_58 : vector<512x128xi32>
    %eq3A_60 = arith.constant 2 : i32
    %eq3A_61 = vector.broadcast %eq3A_60 : i32 to vector<512x128xi32>
    %eq3A_62 = arith.cmpi eq, %iota3A, %eq3A_61 : vector<512x128xi32>
    %jit3A_63 = arith.constant 0.000000e+00 : f32
    %broadcast_in_dim3A_64 = vector.shape_cast %broadcast_in_dim3A_31 : vector<512x1xf32> to vector<512x1xf32>
    %broadcast_in_dim3A_65 = vector.broadcast %broadcast_in_dim3A_64 : vector<512x1xf32> to vector<512x128xf32>
    %broadcast_in_dim3A_66 = vector.broadcast %jit3A_63 : f32 to vector<512x128xf32>
    %select_n3A_67 = arith.select %eq3A_62, %broadcast_in_dim3A_65, %broadcast_in_dim3A_66 : vector<512x128xi1>, vector<512x128xf32>
    %broadcast_in_dim3A_68 = vector.shape_cast %broadcast_in_dim3A_23 : vector<512x1xf32> to vector<512x1xf32>
    %broadcast_in_dim3A_69 = vector.broadcast %broadcast_in_dim3A_68 : vector<512x1xf32> to vector<512x128xf32>
    %select_n3A_70 = arith.select %eq3A_59, %broadcast_in_dim3A_69, %select_n3A_67 : vector<512x128xi1>, vector<512x128xf32>
    %broadcast_in_dim3A_71 = vector.shape_cast %broadcast_in_dim3A_53 : vector<512x1xf32> to vector<512x1xf32>
    %broadcast_in_dim3A_72 = vector.broadcast %broadcast_in_dim3A_71 : vector<512x1xf32> to vector<512x128xf32>
    %select_n3A_73 = arith.select %eq3A_56, %broadcast_in_dim3A_72, %select_n3A_70 : vector<512x128xi1>, vector<512x128xf32>
    %swap3A = arith.constant 0 : index
    %swap3A_74 = arith.constant 0 : index
    %swap3A_75 = vector.load %arg2[%swap3A, %swap3A_74] : memref<512x128xf32, #tpu.memory_space<vmem>>, vector<512x128xf32>
    tpu.vector_store %arg2[%swap3A, %swap3A_74], %select_n3A_73 {strides = array<i32>} : memref<512x128xf32, #tpu.memory_space<vmem>>, vector<512x128xf32>,
    %reduce_sum3A_76 = arith.constant dense<0.000000e+00> : vector<128xf32>
    %reduce_sum3A_77 = vector.multi_reduction <add>, %convert_element_type3A_35, %reduce_sum3A_76 [0] : vector<512x128xf32> to vector<128xf32>
    %broadcast_in_dim3A_78 = vector.shape_cast %reduce_sum3A_77 : vector<128xf32> to vector<1x128xf32>
    %add3A_79 = arith.addf %select_n3A_48, %broadcast_in_dim3A_78 : vector<1x128xf32>
    %swap3A_80 = arith.constant 0 : index
    %swap3A_81 = arith.constant 0 : index
    %swap3A_82 = vector.load %arg4[%swap3A_80, %swap3A_81] : memref<1x128xf32, #tpu.memory_space<vmem>>, vector<1x128xf32>
    tpu.vector_store %arg4[%swap3A_80, %swap3A_81], %add3A_79 {strides = array<i32>} : memref<1x128xf32, #tpu.memory_space<vmem>>, vector<1x128xf32>,
    %eq3A_83 = arith.constant 3 : i32
    %eq3A_84 = arith.cmpi eq, %arg0, %eq3A_83 : i32
    %convert_element_type3A_85 = arith.extui %eq3A_84 : i1 to i32
    %cond3A = arith.constant 0 : i32
    %cond3A_86 = arith.cmpi ne, %convert_element_type3A_85, %cond3A : i32
    scf.if %cond3A_86 {
      %broadcast_in_dim3A_87 = vector.shape_cast %add3A_79 : vector<1x128xf32> to vector<1x128xf32>
      %broadcast_in_dim3A_88 = vector.broadcast %broadcast_in_dim3A_87 : vector<1x128xf32> to vector<8x128xf32>
      %swap3A_89 = arith.constant 0 : index
      %swap3A_90 = arith.constant 0 : index
      %swap3A_91 = vector.load %arg3[%swap3A_89, %swap3A_90] : memref<8x128xf32, #tpu.memory_space<vmem>>, vector<8x128xf32>
      tpu.vector_store %arg3[%swap3A_89, %swap3A_90], %broadcast_in_dim3A_88 {strides = array<i32>} : memref<8x128xf32, #tpu.memory_space<vmem>>, vector<8x128xf32>,
    } else {
    }
    return
  }
  func.func @transform_0(%arg0: i32) -> (i32, i32) {
    %jit3A = arith.constant 4 : i32
    %eq3A = arith.constant 0 : i32
    %eq3A_0 = arith.cmpi eq, %jit3A, %eq3A : i32
    %jit3A_1 = arith.constant 1 : i32
    %select_n3A = arith.select %eq3A_0, %jit3A_1, %jit3A : i32
    %rem3A = arith.remsi %arg0, %select_n3A : i32
    %ne3A = arith.constant 0 : i32
    %ne3A_2 = arith.cmpi ne, %rem3A, %ne3A : i32
    %lt3A = arith.constant 0 : i32
    %lt3A_3 = arith.cmpi slt, %rem3A, %lt3A : i32
    %lt3A_4 = arith.constant 0 : i32
    %lt3A_5 = arith.cmpi slt, %select_n3A, %lt3A_4 : i32
    %ne3A_6 = arith.xori %lt3A_3, %lt3A_5 : i1
    %and3A = arith.andi %ne3A_6, %ne3A_2 : i1
    %add3A = arith.addi %rem3A, %select_n3A : i32
    %select_n3A_7 = arith.select %and3A, %add3A, %rem3A : i32
    %c0_i32 = arith.constant 0 : i32
    %c0_i32_8 = arith.constant 0 : i32
    return %select_n3A_7, %c0_i32 : i32, i32
  }
  func.func @transform_1(%arg0: i32) -> (i32, i32) {
    %c0_i32 = arith.constant 0 : i32
    %c0_i32_0 = arith.constant 0 : i32
    return %arg0, %c0_i32 : i32, i32
  }
  func.func @transform_2(%arg0: i32) -> (i32, i32) {
    %c0_i32 = arith.constant 0 : i32
    %c0_i32_0 = arith.constant 0 : i32
    %c0_i32_1 = arith.constant 0 : i32
    return %c0_i32, %c0_i32_0 : i32, i32
  }
}

module attributes {stable_mosaic.version = 14 : i64} {
  func.func @_router_body(%arg0: memref<2048x1024xf32, #tpu.memory_space<vmem>>, %arg1: memref<128x1024xf32, #tpu.memory_space<vmem>>, %arg2: memref<2048x128xf32, #tpu.memory_space<vmem>>, %arg3: memref<2048x128xf32, #tpu.memory_space<vmem>>, %arg4: memref<2048x512xi32, #tpu.memory_space<vmem>>) attributes {dimension_semantics = [], scalar_prefetch = 0 : i64, scratch_operands = 0 : i64, tpu.core_type = #tpu.core_type<tc>} {
    %get3A = arith.constant 0 : index
    %get3A_0 = arith.constant 0 : index
    %get3A_1 = vector.load %arg0[%get3A, %get3A_0] : memref<2048x1024xf32, #tpu.memory_space<vmem>>, vector<2048x1024xf32>
    %convert_element_type3A = arith.truncf %get3A_1 : vector<2048x1024xf32> to vector<2048x1024xbf16>
    %slice3A = vector.extract_strided_slice %convert_element_type3A {offsets = [0, 0], sizes = [2048, 512], strides = [1, 1]} : vector<2048x1024xbf16> to vector<2048x512xbf16>
    %bitcast_convert_type3A = tpu.bitcast %slice3A : vector<2048x512xbf16> -> vector<2048x512xi16>
    %convert_element_type3A_2 = arith.extui %bitcast_convert_type3A : vector<2048x512xi16> to vector<2048x512xi32>
    %slice3A_3 = vector.extract_strided_slice %convert_element_type3A {offsets = [0, 512], sizes = [2048, 512], strides = [1, 1]} : vector<2048x1024xbf16> to vector<2048x512xbf16>
    %bitcast_convert_type3A_4 = tpu.bitcast %slice3A_3 : vector<2048x512xbf16> -> vector<2048x512xi16>
    %convert_element_type3A_5 = arith.extui %bitcast_convert_type3A_4 : vector<2048x512xi16> to vector<2048x512xi32>
    %shift_left3A = arith.constant 16 : i32
    %shift_left3A_6 = vector.broadcast %shift_left3A : i32 to vector<2048x512xi32>
    %shift_left3A_7 = arith.shli %convert_element_type3A_5, %shift_left3A_6 : vector<2048x512xi32>
    %or3A = arith.ori %convert_element_type3A_2, %shift_left3A_7 : vector<2048x512xi32>
    %bitcast_convert_type3A_8 = tpu.bitcast %or3A : vector<2048x512xi32> -> vector<2048x512xi32>
    %swap3A = arith.constant 0 : index
    %swap3A_9 = arith.constant 0 : index
    %swap3A_10 = vector.load %arg4[%swap3A, %swap3A_9] : memref<2048x512xi32, #tpu.memory_space<vmem>>, vector<2048x512xi32>
    tpu.vector_store %arg4[%swap3A, %swap3A_9], %bitcast_convert_type3A_8 {strides = array<i32>} : memref<2048x512xi32, #tpu.memory_space<vmem>>, vector<2048x512xi32>,
    %get3A_11 = arith.constant 0 : index
    %get3A_12 = arith.constant 0 : index
    %get3A_13 = vector.load %arg1[%get3A_11, %get3A_12] : memref<128x1024xf32, #tpu.memory_space<vmem>>, vector<128x1024xf32>
    %dot_general3A = arith.constant dense<0.000000e+00> : vector<2048x128xf32>
    %dot_general3A_14 = tpu.matmul %get3A_1, %get3A_13, %dot_general3A {dimension_numbers = #tpu.dot_dimension_numbers<[1], [1], [0], [0], [0, 0, 1, 0], [], []>, transpose_lhs_hint = false} : vector<2048x1024xf32>, vector<128x1024xf32>, vector<2048x128xf32> -> vector<2048x128xf32>
    %swap3A_15 = arith.constant 0 : index
    %swap3A_16 = arith.constant 0 : index
    %swap3A_17 = vector.load %arg2[%swap3A_15, %swap3A_16] : memref<2048x128xf32, #tpu.memory_space<vmem>>, vector<2048x128xf32>
    tpu.vector_store %arg2[%swap3A_15, %swap3A_16], %dot_general3A_14 {strides = array<i32>} : memref<2048x128xf32, #tpu.memory_space<vmem>>, vector<2048x128xf32>,
    %iota3A = tpu.iota {dimensions = array<i32: 1>} : vector<2048x128xi32>
    %lt3A = arith.constant 8 : i32
    %lt3A_18 = vector.broadcast %lt3A : i32 to vector<2048x128xi32>
    %lt3A_19 = arith.cmpi slt, %iota3A, %lt3A_18 : vector<2048x128xi32>
    %jit3A = arith.constant -1.000000e+30 : f32
    %broadcast_in_dim3A = vector.broadcast %jit3A : f32 to vector<2048x128xf32>
    %select_n3A = arith.select %lt3A_19, %dot_general3A_14, %broadcast_in_dim3A : vector<2048x128xi1>, vector<2048x128xf32>
    %reduce_max3A = arith.constant dense<0xFF800000> : vector<2048xf32>
    %reduce_max3A_20 = vector.multi_reduction <maximumf>, %select_n3A, %reduce_max3A [1] : vector<2048x128xf32> to vector<2048xf32>
    %broadcast_in_dim3A_21 = vector.shape_cast %reduce_max3A_20 : vector<2048xf32> to vector<2048x1xf32>
    %eq3A = vector.broadcast %broadcast_in_dim3A_21 : vector<2048x1xf32> to vector<2048x128xf32>
    %eq3A_22 = arith.cmpf oeq, %select_n3A, %eq3A : vector<2048x128xf32>
    %jit3A_23 = arith.constant 1000000000 : i32
    %broadcast_in_dim3A_24 = vector.broadcast %jit3A_23 : i32 to vector<2048x128xi32>
    %select_n3A_25 = arith.select %eq3A_22, %iota3A, %broadcast_in_dim3A_24 : vector<2048x128xi1>, vector<2048x128xi32>
    %reduce_min3A = arith.constant dense<2147483647> : vector<2048xi32>
    %reduce_min3A_26 = vector.multi_reduction <minsi>, %select_n3A_25, %reduce_min3A [1] : vector<2048x128xi32> to vector<2048xi32>
    %broadcast_in_dim3A_27 = vector.shape_cast %reduce_min3A_26 : vector<2048xi32> to vector<2048x1xi32>
    %eq3A_28 = vector.broadcast %broadcast_in_dim3A_27 : vector<2048x1xi32> to vector<2048x128xi32>
    %eq3A_29 = arith.cmpi eq, %iota3A, %eq3A_28 : vector<2048x128xi32>
    %jit3A_30 = arith.constant -1.000000e+30 : f32
    %broadcast_in_dim3A_31 = vector.broadcast %jit3A_30 : f32 to vector<2048x128xf32>
    %select_n3A_32 = arith.select %eq3A_29, %broadcast_in_dim3A_31, %select_n3A : vector<2048x128xi1>, vector<2048x128xf32>
    %reduce_max3A_33 = arith.constant dense<0xFF800000> : vector<2048xf32>
    %reduce_max3A_34 = vector.multi_reduction <maximumf>, %select_n3A_32, %reduce_max3A_33 [1] : vector<2048x128xf32> to vector<2048xf32>
    %broadcast_in_dim3A_35 = vector.shape_cast %reduce_max3A_34 : vector<2048xf32> to vector<2048x1xf32>
    %eq3A_36 = vector.broadcast %broadcast_in_dim3A_35 : vector<2048x1xf32> to vector<2048x128xf32>
    %eq3A_37 = arith.cmpf oeq, %select_n3A_32, %eq3A_36 : vector<2048x128xf32>
    %jit3A_38 = arith.constant 1000000000 : i32
    %broadcast_in_dim3A_39 = vector.broadcast %jit3A_38 : i32 to vector<2048x128xi32>
    %select_n3A_40 = arith.select %eq3A_37, %iota3A, %broadcast_in_dim3A_39 : vector<2048x128xi1>, vector<2048x128xi32>
    %reduce_min3A_41 = arith.constant dense<2147483647> : vector<2048xi32>
    %reduce_min3A_42 = vector.multi_reduction <minsi>, %select_n3A_40, %reduce_min3A_41 [1] : vector<2048x128xi32> to vector<2048xi32>
    %broadcast_in_dim3A_43 = vector.shape_cast %reduce_min3A_42 : vector<2048xi32> to vector<2048x1xi32>
    %sub3A = arith.subf %broadcast_in_dim3A_35, %broadcast_in_dim3A_21 : vector<2048x1xf32>
    %exp3A = math.exp %sub3A : vector<2048x1xf32>
    %add3A = arith.constant 1.000000e+00 : f32
    %add3A_44 = vector.broadcast %add3A : f32 to vector<2048x1xf32>
    %add3A_45 = arith.addf %add3A_44, %exp3A : vector<2048x1xf32>
    %div3A = arith.constant 1.000000e+00 : f32
    %div3A_46 = vector.broadcast %div3A : f32 to vector<2048x1xf32>
    %div3A_47 = arith.divf %div3A_46, %add3A_45 : vector<2048x1xf32>
    %sub3A_48 = arith.constant 1.000000e+00 : f32
    %sub3A_49 = vector.broadcast %sub3A_48 : f32 to vector<2048x1xf32>
    %sub3A_50 = arith.subf %sub3A_49, %div3A_47 : vector<2048x1xf32>
    %eq3A_51 = arith.constant 0 : i32
    %eq3A_52 = vector.broadcast %eq3A_51 : i32 to vector<2048x128xi32>
    %eq3A_53 = arith.cmpi eq, %iota3A, %eq3A_52 : vector<2048x128xi32>
    %eq3A_54 = arith.constant 1 : i32
    %eq3A_55 = vector.broadcast %eq3A_54 : i32 to vector<2048x128xi32>
    %eq3A_56 = arith.cmpi eq, %iota3A, %eq3A_55 : vector<2048x128xi32>
    %eq3A_57 = arith.constant 2 : i32
    %eq3A_58 = vector.broadcast %eq3A_57 : i32 to vector<2048x128xi32>
    %eq3A_59 = arith.cmpi eq, %iota3A, %eq3A_58 : vector<2048x128xi32>
    %convert_element_type3A_60 = arith.sitofp %broadcast_in_dim3A_27 : vector<2048x1xi32> to vector<2048x1xf32>
    %eq3A_61 = arith.constant 3 : i32
    %eq3A_62 = vector.broadcast %eq3A_61 : i32 to vector<2048x128xi32>
    %eq3A_63 = arith.cmpi eq, %iota3A, %eq3A_62 : vector<2048x128xi32>
    %convert_element_type3A_64 = arith.sitofp %broadcast_in_dim3A_43 : vector<2048x1xi32> to vector<2048x1xf32>
    %jit3A_65 = arith.constant 0.000000e+00 : f32
    %broadcast_in_dim3A_66 = vector.shape_cast %convert_element_type3A_64 : vector<2048x1xf32> to vector<2048x1xf32>
    %broadcast_in_dim3A_67 = vector.broadcast %broadcast_in_dim3A_66 : vector<2048x1xf32> to vector<2048x128xf32>
    %broadcast_in_dim3A_68 = vector.broadcast %jit3A_65 : f32 to vector<2048x128xf32>
    %select_n3A_69 = arith.select %eq3A_63, %broadcast_in_dim3A_67, %broadcast_in_dim3A_68 : vector<2048x128xi1>, vector<2048x128xf32>
    %broadcast_in_dim3A_70 = vector.shape_cast %convert_element_type3A_60 : vector<2048x1xf32> to vector<2048x1xf32>
    %broadcast_in_dim3A_71 = vector.broadcast %broadcast_in_dim3A_70 : vector<2048x1xf32> to vector<2048x128xf32>
    %select_n3A_72 = arith.select %eq3A_59, %broadcast_in_dim3A_71, %select_n3A_69 : vector<2048x128xi1>, vector<2048x128xf32>
    %broadcast_in_dim3A_73 = vector.shape_cast %sub3A_50 : vector<2048x1xf32> to vector<2048x1xf32>
    %broadcast_in_dim3A_74 = vector.broadcast %broadcast_in_dim3A_73 : vector<2048x1xf32> to vector<2048x128xf32>
    %select_n3A_75 = arith.select %eq3A_56, %broadcast_in_dim3A_74, %select_n3A_72 : vector<2048x128xi1>, vector<2048x128xf32>
    %broadcast_in_dim3A_76 = vector.shape_cast %div3A_47 : vector<2048x1xf32> to vector<2048x1xf32>
    %broadcast_in_dim3A_77 = vector.broadcast %broadcast_in_dim3A_76 : vector<2048x1xf32> to vector<2048x128xf32>
    %select_n3A_78 = arith.select %eq3A_53, %broadcast_in_dim3A_77, %select_n3A_75 : vector<2048x128xi1>, vector<2048x128xf32>
    %swap3A_79 = arith.constant 0 : index
    %swap3A_80 = arith.constant 0 : index
    %swap3A_81 = vector.load %arg3[%swap3A_79, %swap3A_80] : memref<2048x128xf32, #tpu.memory_space<vmem>>, vector<2048x128xf32>
    tpu.vector_store %arg3[%swap3A_79, %swap3A_80], %select_n3A_78 {strides = array<i32>} : memref<2048x128xf32, #tpu.memory_space<vmem>>, vector<2048x128xf32>,
    return
  }
}

module attributes {stable_mosaic.version = 14 : i64} {
  func.func @_pos_body(%arg0: memref<2048x128xf32, #tpu.memory_space<vmem>>, %arg1: memref<8x128xf32, #tpu.memory_space<vmem>>, %arg2: memref<2048x128xf32, #tpu.memory_space<vmem>>) attributes {dimension_semantics = [], scalar_prefetch = 0 : i64, scratch_operands = 0 : i64, tpu.core_type = #tpu.core_type<tc>} {
    %get3A = arith.constant 0 : index
    %get3A_0 = arith.constant 0 : index
    %get3A_1 = vector.load %arg0[%get3A, %get3A_0] : memref<2048x128xf32, #tpu.memory_space<vmem>>, vector<2048x128xf32>
    %iota3A = tpu.iota {dimensions = array<i32: 1>} : vector<2048x128xi32>
    %eq3A = arith.constant 0 : i32
    %eq3A_2 = vector.broadcast %eq3A : i32 to vector<2048x128xi32>
    %eq3A_3 = arith.cmpi eq, %iota3A, %eq3A_2 : vector<2048x128xi32>
    %jit3A = arith.constant 0.000000e+00 : f32
    %broadcast_in_dim3A = vector.broadcast %jit3A : f32 to vector<2048x128xf32>
    %select_n3A = arith.select %eq3A_3, %get3A_1, %broadcast_in_dim3A : vector<2048x128xi1>, vector<2048x128xf32>
    %reduce_sum3A = arith.constant dense<0.000000e+00> : vector<2048xf32>
    %reduce_sum3A_4 = vector.multi_reduction <add>, %select_n3A, %reduce_sum3A [1] : vector<2048x128xf32> to vector<2048xf32>
    %broadcast_in_dim3A_5 = vector.shape_cast %reduce_sum3A_4 : vector<2048xf32> to vector<2048x1xf32>
    %eq3A_6 = arith.constant 1 : i32
    %eq3A_7 = vector.broadcast %eq3A_6 : i32 to vector<2048x128xi32>
    %eq3A_8 = arith.cmpi eq, %iota3A, %eq3A_7 : vector<2048x128xi32>
    %jit3A_9 = arith.constant 0.000000e+00 : f32
    %broadcast_in_dim3A_10 = vector.broadcast %jit3A_9 : f32 to vector<2048x128xf32>
    %select_n3A_11 = arith.select %eq3A_8, %get3A_1, %broadcast_in_dim3A_10 : vector<2048x128xi1>, vector<2048x128xf32>
    %reduce_sum3A_12 = arith.constant dense<0.000000e+00> : vector<2048xf32>
    %reduce_sum3A_13 = vector.multi_reduction <add>, %select_n3A_11, %reduce_sum3A_12 [1] : vector<2048x128xf32> to vector<2048xf32>
    %broadcast_in_dim3A_14 = vector.shape_cast %reduce_sum3A_13 : vector<2048xf32> to vector<2048x1xf32>
    %eq3A_15 = arith.constant 2 : i32
    %eq3A_16 = vector.broadcast %eq3A_15 : i32 to vector<2048x128xi32>
    %eq3A_17 = arith.cmpi eq, %iota3A, %eq3A_16 : vector<2048x128xi32>
    %jit3A_18 = arith.constant 0.000000e+00 : f32
    %broadcast_in_dim3A_19 = vector.broadcast %jit3A_18 : f32 to vector<2048x128xf32>
    %select_n3A_20 = arith.select %eq3A_17, %get3A_1, %broadcast_in_dim3A_19 : vector<2048x128xi1>, vector<2048x128xf32>
    %reduce_sum3A_21 = arith.constant dense<0.000000e+00> : vector<2048xf32>
    %reduce_sum3A_22 = vector.multi_reduction <add>, %select_n3A_20, %reduce_sum3A_21 [1] : vector<2048x128xf32> to vector<2048xf32>
    %broadcast_in_dim3A_23 = vector.shape_cast %reduce_sum3A_22 : vector<2048xf32> to vector<2048x1xf32>
    %convert_element_type3A = arith.fptosi %broadcast_in_dim3A_14 : vector<2048x1xf32> to vector<2048x1xi32>
    %eq3A_24 = vector.broadcast %convert_element_type3A : vector<2048x1xi32> to vector<2048x128xi32>
    %eq3A_25 = arith.cmpi eq, %iota3A, %eq3A_24 : vector<2048x128xi32>
    %convert_element_type3A_26 = arith.extui %eq3A_25 : vector<2048x128xi1> to vector<2048x128xi32>
    %convert_element_type3A_27 = arith.sitofp %convert_element_type3A_26 : vector<2048x128xi32> to vector<2048x128xf32>
    %get3A_28 = arith.constant 0 : index
    %get3A_29 = arith.constant 0 : index
    %get3A_30 = vector.load %arg1[%get3A_28, %get3A_29] : memref<8x128xf32, #tpu.memory_space<vmem>>, vector<1x128xf32>
    %mul3A = vector.broadcast %get3A_30 : vector<1x128xf32> to vector<2048x128xf32>
    %mul3A_31 = arith.mulf %convert_element_type3A_27, %mul3A : vector<2048x128xf32>
    %reduce_sum3A_32 = arith.constant dense<0.000000e+00> : vector<2048xf32>
    %reduce_sum3A_33 = vector.multi_reduction <add>, %mul3A_31, %reduce_sum3A_32 [1] : vector<2048x128xf32> to vector<2048xf32>
    %broadcast_in_dim3A_34 = vector.shape_cast %reduce_sum3A_33 : vector<2048xf32> to vector<2048x1xf32>
    %add3A = arith.addf %broadcast_in_dim3A_5, %broadcast_in_dim3A_34 : vector<2048x1xf32>
    %eq3A_35 = arith.constant 0 : i32
    %eq3A_36 = vector.broadcast %eq3A_35 : i32 to vector<2048x128xi32>
    %eq3A_37 = arith.cmpi eq, %iota3A, %eq3A_36 : vector<2048x128xi32>
    %eq3A_38 = arith.constant 1 : i32
    %eq3A_39 = vector.broadcast %eq3A_38 : i32 to vector<2048x128xi32>
    %eq3A_40 = arith.cmpi eq, %iota3A, %eq3A_39 : vector<2048x128xi32>
    %jit3A_41 = arith.constant 0.000000e+00 : f32
    %broadcast_in_dim3A_42 = vector.shape_cast %broadcast_in_dim3A_23 : vector<2048x1xf32> to vector<2048x1xf32>
    %broadcast_in_dim3A_43 = vector.broadcast %broadcast_in_dim3A_42 : vector<2048x1xf32> to vector<2048x128xf32>
    %broadcast_in_dim3A_44 = vector.broadcast %jit3A_41 : f32 to vector<2048x128xf32>
    %select_n3A_45 = arith.select %eq3A_40, %broadcast_in_dim3A_43, %broadcast_in_dim3A_44 : vector<2048x128xi1>, vector<2048x128xf32>
    %broadcast_in_dim3A_46 = vector.shape_cast %add3A : vector<2048x1xf32> to vector<2048x1xf32>
    %broadcast_in_dim3A_47 = vector.broadcast %broadcast_in_dim3A_46 : vector<2048x1xf32> to vector<2048x128xf32>
    %select_n3A_48 = arith.select %eq3A_37, %broadcast_in_dim3A_47, %select_n3A_45 : vector<2048x128xi1>, vector<2048x128xf32>
    %swap3A = arith.constant 0 : index
    %swap3A_49 = arith.constant 0 : index
    %swap3A_50 = vector.load %arg2[%swap3A, %swap3A_49] : memref<2048x128xf32, #tpu.memory_space<vmem>>, vector<2048x128xf32>
    tpu.vector_store %arg2[%swap3A, %swap3A_49], %select_n3A_48 {strides = array<i32>} : memref<2048x128xf32, #tpu.memory_space<vmem>>, vector<2048x128xf32>,
    return
  }
}

module attributes {stable_mosaic.version = 14 : i64} {
  func.func @_ffn_body(%arg0: i32, %arg1: memref<24xi32, #tpu.memory_space<smem>>, %arg2: memref<1xi32, #tpu.memory_space<smem>>, %arg3: memref<256x512xi32, #tpu.memory_space<vmem>>, %arg4: memref<256x1xf32, #tpu.memory_space<vmem>>, %arg5: memref<1x2048x1024xbf16, #tpu.memory_space<vmem>>, %arg6: memref<1x2048x1024xbf16, #tpu.memory_space<vmem>>, %arg7: memref<1x1024x2048xbf16, #tpu.memory_space<vmem>>, %arg8: memref<256x1024xf32, #tpu.memory_space<vmem>>) attributes {dimension_semantics = [#tpu.dimension_semantics<arbitrary>], iteration_bounds = array<i64: 24>, scalar_prefetch = 2 : i64, scratch_operands = 0 : i64, tpu.core_type = #tpu.core_type<tc>, window_params = [{transform_indices = @transform_0, window_bounds = array<i64: 256, 512>}, {transform_indices = @transform_1, window_bounds = array<i64: 256, 1>}, {transform_indices = @transform_2, window_bounds = array<i64: 1, 2048, 1024>}, {transform_indices = @transform_3, window_bounds = array<i64: 1, 2048, 1024>}, {transform_indices = @transform_4, window_bounds = array<i64: 1, 1024, 2048>}, {transform_indices = @transform_5, window_bounds = array<i64: 256, 1024>}]} {
    %get3A = arith.constant 0 : index
    %get3A_0 = memref.load %arg2[%get3A] : memref<1xi32, #tpu.memory_space<smem>>
    %lt3A = arith.cmpi slt, %arg0, %get3A_0 : i32
    %convert_element_type3A = arith.extui %lt3A : i1 to i32
    %cond3A = arith.constant 0 : i32
    %cond3A_1 = arith.cmpi ne, %convert_element_type3A, %cond3A : i32
    scf.if %cond3A_1 {
      %get3A_2 = arith.constant 0 : index
      %get3A_3 = arith.constant 0 : index
      %get3A_4 = vector.load %arg3[%get3A_2, %get3A_3] : memref<256x512xi32, #tpu.memory_space<vmem>>, vector<256x512xi32>
      %bitcast_convert_type3A = tpu.bitcast %get3A_4 : vector<256x512xi32> -> vector<256x512xi32>
      %and3A = arith.constant 65535 : i32
      %and3A_5 = vector.broadcast %and3A : i32 to vector<256x512xi32>
      %and3A_6 = arith.andi %bitcast_convert_type3A, %and3A_5 : vector<256x512xi32>
      %convert_element_type3A_7 = arith.trunci %and3A_6 : vector<256x512xi32> to vector<256x512xi16>
      %bitcast_convert_type3A_8 = tpu.bitcast %convert_element_type3A_7 : vector<256x512xi16> -> vector<256x512xbf16>
      %shift_right_logical3A = arith.constant 16 : i32
      %shift_right_logical3A_9 = vector.broadcast %shift_right_logical3A : i32 to vector<256x512xi32>
      %shift_right_logical3A_10 = arith.shrui %bitcast_convert_type3A, %shift_right_logical3A_9 : vector<256x512xi32>
      %convert_element_type3A_11 = arith.trunci %shift_right_logical3A_10 : vector<256x512xi32> to vector<256x512xi16>
      %bitcast_convert_type3A_12 = tpu.bitcast %convert_element_type3A_11 : vector<256x512xi16> -> vector<256x512xbf16>
      %concatenate3A = tpu.concatenate %bitcast_convert_type3A_8, %bitcast_convert_type3A_12 in 1 : vector<256x512xbf16>, vector<256x512xbf16> -> vector<256x1024xbf16>
      %get3A_13 = arith.constant 0 : index
      %get3A_14 = arith.constant 0 : index
      %get3A_15 = arith.constant 0 : index
      %get3A_16 = vector.load %arg5[%get3A_13, %get3A_14, %get3A_15] : memref<1x2048x1024xbf16, #tpu.memory_space<vmem>>, vector<1x2048x1024xbf16>
      %get3A_17 = vector.shape_cast %get3A_16 : vector<1x2048x1024xbf16> to vector<2048x1024xbf16>
      %dot_general3A = arith.constant dense<0.000000e+00> : vector<256x2048xf32>
      %dot_general3A_18 = tpu.matmul %concatenate3A, %get3A_17, %dot_general3A {dimension_numbers = #tpu.dot_dimension_numbers<[1], [1], [0], [0], [0, 0, 1, 0], [], []>, transpose_lhs_hint = false} : vector<256x1024xbf16>, vector<2048x1024xbf16>, vector<256x2048xf32> -> vector<256x2048xf32>
      %get3A_19 = arith.constant 0 : index
      %get3A_20 = arith.constant 0 : index
      %get3A_21 = arith.constant 0 : index
      %get3A_22 = vector.load %arg6[%get3A_19, %get3A_20, %get3A_21] : memref<1x2048x1024xbf16, #tpu.memory_space<vmem>>, vector<1x2048x1024xbf16>
      %get3A_23 = vector.shape_cast %get3A_22 : vector<1x2048x1024xbf16> to vector<2048x1024xbf16>
      %dot_general3A_24 = arith.constant dense<0.000000e+00> : vector<256x2048xf32>
      %dot_general3A_25 = tpu.matmul %concatenate3A, %get3A_23, %dot_general3A_24 {dimension_numbers = #tpu.dot_dimension_numbers<[1], [1], [0], [0], [0, 0, 1, 0], [], []>, transpose_lhs_hint = false} : vector<256x1024xbf16>, vector<2048x1024xbf16>, vector<256x2048xf32> -> vector<256x2048xf32>
      %logistic3A = arith.negf %dot_general3A_18 : vector<256x2048xf32>
      %logistic3A_26 = math.exp %logistic3A : vector<256x2048xf32>
      %logistic3A_27 = arith.constant 1.000000e+00 : f32
      %logistic3A_28 = vector.broadcast %logistic3A_27 : f32 to vector<256x2048xf32>
      %logistic3A_29 = arith.addf %logistic3A_28, %logistic3A_26 : vector<256x2048xf32>
      %logistic3A_30 = arith.divf %logistic3A_28, %logistic3A_29 : vector<256x2048xf32>
      %mul3A = arith.mulf %dot_general3A_18, %logistic3A_30 : vector<256x2048xf32>
      %mul3A_31 = arith.mulf %mul3A, %dot_general3A_25 : vector<256x2048xf32>
      %convert_element_type3A_32 = arith.truncf %mul3A_31 : vector<256x2048xf32> to vector<256x2048xbf16>
      %get3A_33 = arith.constant 0 : index
      %get3A_34 = arith.constant 0 : index
      %get3A_35 = arith.constant 0 : index
      %get3A_36 = vector.load %arg7[%get3A_33, %get3A_34, %get3A_35] : memref<1x1024x2048xbf16, #tpu.memory_space<vmem>>, vector<1x1024x2048xbf16>
      %get3A_37 = vector.shape_cast %get3A_36 : vector<1x1024x2048xbf16> to vector<1024x2048xbf16>
      %dot_general3A_38 = arith.constant dense<0.000000e+00> : vector<256x1024xf32>
      %dot_general3A_39 = tpu.matmul %convert_element_type3A_32, %get3A_37, %dot_general3A_38 {dimension_numbers = #tpu.dot_dimension_numbers<[1], [1], [0], [0], [0, 0, 1, 0], [], []>, transpose_lhs_hint = false} : vector<256x2048xbf16>, vector<1024x2048xbf16>, vector<256x1024xf32> -> vector<256x1024xf32>
      %get3A_40 = arith.constant 0 : index
      %get3A_41 = arith.constant 0 : index
      %get3A_42 = vector.load %arg4[%get3A_40, %get3A_41] : memref<256x1xf32, #tpu.memory_space<vmem>>, vector<256x1xf32>
      %mul3A_43 = vector.broadcast %get3A_42 : vector<256x1xf32> to vector<256x1024xf32>
      %mul3A_44 = arith.mulf %dot_general3A_39, %mul3A_43 : vector<256x1024xf32>
      %swap3A = arith.constant 0 : index
      %swap3A_45 = arith.constant 0 : index
      %swap3A_46 = vector.load %arg8[%swap3A, %swap3A_45] : memref<256x1024xf32, #tpu.memory_space<vmem>>, vector<256x1024xf32>
      tpu.vector_store %arg8[%swap3A, %swap3A_45], %mul3A_44 {strides = array<i32>} : memref<256x1024xf32, #tpu.memory_space<vmem>>, vector<256x1024xf32>,
    } else {
    }
    return
  }
  func.func @transform_0(%arg0: i32, %arg1: memref<24xi32, #tpu.memory_space<smem>>, %arg2: memref<1xi32, #tpu.memory_space<smem>>) -> (i32, i32) {
    %c0_i32 = arith.constant 0 : i32
    %c0_i32_0 = arith.constant 0 : i32
    return %arg0, %c0_i32 : i32, i32
  }
  func.func @transform_1(%arg0: i32, %arg1: memref<24xi32, #tpu.memory_space<smem>>, %arg2: memref<1xi32, #tpu.memory_space<smem>>) -> (i32, i32) {
    %c0_i32 = arith.constant 0 : i32
    %c0_i32_0 = arith.constant 0 : i32
    return %arg0, %c0_i32 : i32, i32
  }
  func.func @transform_2(%arg0: i32, %arg1: memref<24xi32, #tpu.memory_space<smem>>, %arg2: memref<1xi32, #tpu.memory_space<smem>>) -> (i32, i32, i32) {
    %get3A = arith.index_cast %arg0 : i32 to index
    %get3A_0 = memref.load %arg1[%get3A] : memref<24xi32, #tpu.memory_space<smem>>
    %c0_i32 = arith.constant 0 : i32
    %c0_i32_1 = arith.constant 0 : i32
    %c0_i32_2 = arith.constant 0 : i32
    return %get3A_0, %c0_i32, %c0_i32_1 : i32, i32, i32
  }
  func.func @transform_3(%arg0: i32, %arg1: memref<24xi32, #tpu.memory_space<smem>>, %arg2: memref<1xi32, #tpu.memory_space<smem>>) -> (i32, i32, i32) {
    %get3A = arith.index_cast %arg0 : i32 to index
    %get3A_0 = memref.load %arg1[%get3A] : memref<24xi32, #tpu.memory_space<smem>>
    %c0_i32 = arith.constant 0 : i32
    %c0_i32_1 = arith.constant 0 : i32
    %c0_i32_2 = arith.constant 0 : i32
    return %get3A_0, %c0_i32, %c0_i32_1 : i32, i32, i32
  }
  func.func @transform_4(%arg0: i32, %arg1: memref<24xi32, #tpu.memory_space<smem>>, %arg2: memref<1xi32, #tpu.memory_space<smem>>) -> (i32, i32, i32) {
    %get3A = arith.index_cast %arg0 : i32 to index
    %get3A_0 = memref.load %arg1[%get3A] : memref<24xi32, #tpu.memory_space<smem>>
    %c0_i32 = arith.constant 0 : i32
    %c0_i32_1 = arith.constant 0 : i32
    %c0_i32_2 = arith.constant 0 : i32
    return %get3A_0, %c0_i32, %c0_i32_1 : i32, i32, i32
  }
  func.func @transform_5(%arg0: i32, %arg1: memref<24xi32, #tpu.memory_space<smem>>, %arg2: memref<1xi32, #tpu.memory_space<smem>>) -> (i32, i32) {
    %c0_i32 = arith.constant 0 : i32
    %c0_i32_0 = arith.constant 0 : i32
    return %arg0, %c0_i32 : i32, i32
  }
}

</mosaic_0001>

<sc_bundles>
// kernel: kernel.11.cloned.1.call-start
scs
__scs_entry_jumppad:
0x0: {  	(pc) =	sbr.rel $0x88, $3  }
0x1: {  	(tag) =	ssettag $0x0;
	lr =	simm.s32 $0x1  }
0x2: {  	[smem:$0x3F9C] =	sst lr;
	_ =	strace $0xD0000000  }
0x3: {  	_ = 	snop  }
0x4: {  	_ = 	snop  }
0x5: {  	_ = 	snop  }
0x6: {  	_ = 	snop  }
0x7: {  	_ = 	snop  }
__scs_overlays_trampoline_lowered:
0x8: {  	[smem:$0x3FAB] =	sst s0  }
0x9: {  	[smem:$0x3FAC] =	sst s1  }
0xa: {  	[smem:$0x3FAD] =	sst s2  }
0xb: {  	[smem:$0x3FAE] =	sst s3  }
0xc: {  	[smem:$0x3FAF] =	sst s4  }
0xd: {  	[smem:$0x3FB0] =	sst s5  }
0xe: {  	[smem:$0x3FB1] =	sst s6  }
0xf: {  	[smem:$0x3FB2] =	sst s7  }
0x10: {  	[smem:$0x3FB3] =	sst s8  }
0x11: {  	[smem:$0x3FB4] =	sst s9;
	s0 =	simm.s32 @!p0 $0x0  }
0x12: {  	s1 =	sld [smem:$0x3F9A];
	s0 =	simm.s32 @p0 $0x1  }
0x13: {  	[smem:$0x3FB5] =	sst s0;
	s0 =	simm.s32 @!p1 $0x0  }
0x14: {  	s2 =	sld [smem:$0x3F99];
	s0 =	simm.s32 @p1 $0x1  }
0x15: {  	[smem:$0x3FB6] =	sst s0;
	s0 =	simm.s32 @!p2 $0x0  }
0x16: {  	s3 =	sld [smem:$0x3FDB];
	s0 =	simm.s32 @p2 $0x1  }
0x17: {  	s4 =	simm.s32 $0x1BF5;
	[smem:$0x3FB8] =	sst s0  }
0x18: {  	s0 =	sld [smem:$0x3F9B];
	_ =	swait.ge [sflag:s4], $0x0  }
0x19: {  	s7 =	sld [smem:$0x3F9C]  }
0x1a: {  	s8 =	sadd.s32 $0xFFFFE003, lr  }
0x1b: {  	s9 =	sadd.s32 $0xFFFFFEF7, lr;
	s5 =	simm.s32 $0xFFFFFFFF;
	p2 =	slt.u32 s8, $0xFFFFF086  }
0x1c: {  	p1 =	slt.u32 s9, $0xF7A;
	s5 =	simm.s32 @!p2 $0x0  }
0x1d: {  	s5 =	simm.s32 @p1 $0x1;
	p0 =	seq.s32 s7, s2  }
0x1e: {  	s7 =	smul.u32 @!p0 $0xF7A, s2;
	p2 =	seq.s32 @!p0 s5, $0x0  }
0x1f: {  	s9 =	smul.u32 $0xF7A, s1;
	s8 =	simm.s32 @!p0 $0x1BF5;
	p2 =	por !p2, p0  }
0x20: {  	[sflag:s8] =	ssyncset.s32 @!p0 $0xFFFFF086;
	s6 =	sadd.s32 @!p0 s3, s7;
	s7 =	simm.s32 @!p0 $0x108  }
0x21: {  	s3 =	sadd.s32 s3, s9;
	s6 =	sadd.s32 @!p0 $0x88, s6;
	s7 =	simm.s32 @p2 $0x1082  }
0x22: {  	[simem:s7], [sflag:s8] =	dma.local @!p0 [hbm:s6], $0xF7A  }
0x23: {  	s9 =	sor.u32 $0xD0000000, s2;
	s6 =	simm.s32 $0x108;
	_ =	swait.ge @!p0 [sflag:s8], $0x0  }
0x24: {  	s3 =	sadd.s32 $0x88, s3;
	s6 =	simm.s32 @!p1 $0x1082;
	[sflag:s4] =	ssyncset.s32 $0xFFFFF086  }
0x25: {  	[simem:s6], [sflag:s4] =	dma.local [hbm:s3], $0xF7A  }
0x26: {  	[smem:$0x3F9C] =	sst s1;
	(tag) =	ssettag s2;
	_ =	strace s9  }
0x27: {  	s1 =	sld [smem:$0x3FAC]  }
0x28: {  	s2 =	sld [smem:$0x3FAD]  }
0x29: {  	s4 =	sld [smem:$0x3FAF]  }
0x2a: {  	p0 =	seq.s32 s5, $0x0;
	s5 =	sld [smem:$0x3FB0]  }
0x2b: {  	s6 =	sld [smem:$0x3FB1]  }
0x2c: {  	s7 =	sld [smem:$0x3FB2]  }
0x2d: {  	s3 =	simm.s32 $0x108;
	s8 =	sld [smem:$0x3FB3]  }
0x2e: {  	s3 =	simm.s32 @!p0 $0x1082;
	s9 =	sld [smem:$0x3FB4]  }
0x2f: {  	lr =	sadd.s32 s0, s3;
	s0 =	sld [smem:$0x3FAB]  }
0x30: {  	s3 =	sld [smem:$0x3FAE]  }
0x31: {  	[smem:$0x3FB7] =	sst s10  }
0x32: {  	s10 =	sld [smem:$0x3FB5];
	_ =	sdelay $0x3  }
0x33: {  	p0 =	seq.s32 s10, $0x1;
	s10 =	sld [smem:$0x3FB7];
	_ =	sdelay $0x3  }
0x34: {  	[smem:$0x3FB7] =	sst s10  }
0x35: {  	s10 =	sld [smem:$0x3FB6];
	_ =	sdelay $0x3  }
0x36: {  	p1 =	seq.s32 s10, $0x1;
	s10 =	sld [smem:$0x3FB7];
	_ =	sdelay $0x3  }
0x37: {  	[smem:$0x3FB7] =	sst s10  }
0x38: {  	s10 =	sld [smem:$0x3FB8]  }
0x39: {  	_ = 	snop;
	(pc) =	sbr.ind lr, $3  }
0x3a: {  	_ = 	snop  }
0x3b: {  	_ = 	snop  }
0x3c: {  	p2 =	seq.s32 s10, $0x1;
	s10 =	sld [smem:$0x3FB7]  }
0x3d: {  	_ =	shalt  }
0x3e: {  	_ =	shalt  }
0x3f: {  	_ =	shalt  }
0x40: {  	_ =	shalt  }
0x41: {  	_ =	shalt  }
0x42: {  	_ =	shalt  }
0x43: {  	_ =	shalt  }
0x44: {  	_ =	shalt  }
0x45: {  	_ =	shalt  }
0x46: {  	_ =	shalt  }
0x47: {  	_ =	shalt  }
0x48: {  	_ =	shalt  }
0x49: {  	_ =	shalt  }
0x4a: {  	_ =	shalt  }
0x4b: {  	_ =	shalt  }
0x4c: {  	_ =	shalt  }
0x4d: {  	_ =	shalt  }
0x4e: {  	_ =	shalt  }
0x4f: {  	_ =	shalt  }
0x50: {  	_ =	shalt  }
0x51: {  	_ =	shalt  }
0x52: {  	_ =	shalt  }
0x53: {  	_ =	shalt  }
0x54: {  	_ =	shalt  }
0x55: {  	_ =	shalt  }
0x56: {  	_ =	shalt  }
0x57: {  	_ =	shalt  }
0x58: {  	_ =	shalt  }
0x59: {  	_ =	shalt  }
0x5a: {  	_ =	shalt  }
0x5b: {  	_ =	shalt  }
0x5c: {  	_ =	shalt  }
0x5d: {  	_ =	shalt  }
0x5e: {  	_ =	shalt  }
0x5f: {  	_ =	shalt  }
0x60: {  	_ =	shalt  }
0x61: {  	_ =	shalt  }
0x62: {  	_ =	shalt  }
0x63: {  	_ =	shalt  }
0x64: {  	_ =	shalt  }
0x65: {  	_ =	shalt  }
0x66: {  	_ =	shalt  }
0x67: {  	_ =	shalt  }
0x68: {  	_ =	shalt  }
0x69: {  	_ =	shalt  }
0x6a: {  	_ =	shalt  }
0x6b: {  	_ =	shalt  }
0x6c: {  	_ =	shalt  }
0x6d: {  	_ =	shalt  }
0x6e: {  	_ =	shalt  }
0x6f: {  	_ =	shalt  }
0x70: {  	_ =	shalt  }
0x71: {  	_ =	shalt  }
0x72: {  	_ =	shalt  }
0x73: {  	_ =	shalt  }
0x74: {  	_ =	shalt  }
0x75: {  	_ =	shalt  }
0x76: {  	_ =	shalt  }
0x77: {  	_ =	shalt  }
0x78: {  	_ =	shalt  }
0x79: {  	_ =	shalt  }
0x7a: {  	_ =	shalt  }
0x7b: {  	_ =	shalt  }
0x7c: {  	_ =	shalt  }
0x7d: {  	_ =	shalt  }
0x7e: {  	_ =	shalt  }
0x7f: {  	_ =	shalt  }
0x80: {  	_ =	shalt  }
0x81: {  	_ =	shalt  }
0x82: {  	_ =	shalt  }
0x83: {  	_ =	shalt  }
0x84: {  	_ =	shalt  }
0x85: {  	_ =	shalt  }
0x86: {  	_ =	shalt  }
0x87: {  	_ =	shalt  }
.Lfunc_end0:
.L_simem_size_0:
called_computation.1_lowered:
.L_overlay_start_0:
0x88: {  	s2 =	sld [smem:$0x3FD9]  }
0x89: {  	s3 =	sld [smem:$0x3FFE];
	_ =	sdelay $0x1  }
0x8a: {  	s1 =	srdreg.scid  }
0x8b: {  	s0 =	sand.u32 $0x1, s1  }
0x8c: {  	s14 =	sshll.u32 s0, $0xA;
	s2 =	sadd.s32 s3, s2  }
0x8d: {  	s2 =	sadd.s32 s2, s14  }
0x8e: {  	[smem:$0x3FC3] =	sst s2  }
0x8f: {  	_ = 	snop  }
0x90: {  	s2 =	sld [smem:$0x3FD0];
	_ =	sdelay $0x2  }
0x91: {  	s15 =	simm.s32 $0xA;
	s4 =	simm.s32 $0x10  }
0x92: {  	[smem:s4], [sflag:s15] =	dma.local [hbm:s2], $0x1  }
0x93: {  	_ =	swait.eq [sflag:s15], $0x1  }
0x94: {  	[sflag:s15] =	ssyncset.done $0x0  }
0x95: {  	[sflag:s15] =	ssyncadd.s32 $0xFFFFFFFF  }
0x96: {  	s16 =	sld [smem:$0x10];
	(tm) =	ssettm $0x1  }
0x97: {  	s17 =	sld [smem:$0x3FFB];
	_ =	sdelay $0x3  }
0x98: {  	_ =	strace s17  }
0x99: {  	s3 =	sld [smem:$0x3FFC];
	_ =	sdelay $0x3  }
0x9a: {  	_ =	strace s3  }
0x9b: {  	s3 =	sld [smem:$0x3FFD];
	_ =	sdelay $0x3  }
0x9c: {  	_ =	strace s3  }
0x9d: {  	_ =	strace $0x8FFFFFFF  }
0x9e: {  	s18 =	sld [smem:$0x3FDB];
	_ =	sdelay $0x1  }
0x9f: {  	s19 =	simm.s32 $_scs_section_size  }
0xa0: {  	s5 =	simm.s32 $_size__tile_overlayer_lowered;
	s6 =	simm.s32 $_tile_overlayer_lowered  }
0xa1: {  	s22 =	simm.s32 $0x1BFF;
	s21 =	sshll.u32 s6, $0x1;
	s3 =	sadd.s32 s19, s18  }
0xa2: {  	s7 =	simm.s32 $0x0;
	s20 =	sshll.u32 s5, $0x1;
	s5 =	sadd.s32 s21, s3  }
0xa3: {  	[timem:s7], [sflag:s22] =	dma.local [hbm:s5], s20  }
0xa4: {  	_ =	swait.ge [sflag:s22], s20  }
0xa5: {  	s4 =	ssub.s32 $0x0, s20;
	[sflag:s22] =	ssyncset.done $0x0  }
0xa6: {  	[sflag:s22] =	ssyncadd.s32 s4;
	_ =	sdelay $0x1  }
0xa7: {  	s23 =	simm.s32 $0x1B8B  }
0xa8: {  	_ =	swait.ge [sflag:s23], $0x1  }
0xa9: {  	[sflag:s23] =	ssyncset.done $0x0  }
0xaa: {  	s25 =	simm.s32 $0x1B8E;
	s24 =	sld [smem:$0x3FFE];
	[sflag:s23] =	ssyncadd.s32 $0xFFFFFFFF  }
0xab: {  	s26 =	simm.s32 $execute0_lowered;
	[smem:$0x3FD2] =	sst s25  }
0xac: {  	s5 =	sshll.u32 s26, $0x1;
	_ =	strace $0x80000049;
	[dreg:$0x1] =	wrdreg $0xFFFFFFFF  }
0xad: {  	s28 =	simm.s32 $_size_execute0_lowered;
	s3 =	sadd.s32 s3, s5;
	[dreg:$0x0] =	wrdreg $0x0  }
0xae: {  	s5 =	sshll.u32 s28, $0x1;
	[dreg:$0x2] =	wrdreg s3  }
0xaf: {  	[dreg:$0x3] =	wrdreg s5  }
0xb0: {  	[dreg:$0x4] =	wrdreg $0xC0  }
0xb1: {  	_ =	task [dreg:s7], $0x5FFFF  }
0xb2: {  	[dreg:$0x1] =	wrdreg $0xFFFFFFFF  }
0xb3: {  	[dreg:$0x0] =	wrdreg $0x60  }
0xb4: {  	[dreg:$0x2] =	wrdreg s24  }
0xb5: {  	[dreg:$0x3] =	wrdreg s16  }
0xb6: {  	[dreg:$0x4] =	wrdreg $0x9  }
0xb7: {  	_ =	task.clear_ibuf [dreg:s7], $0x5FFFF;
	_ =	strace $0x90000049  }
0xb8: {  	s29 =	simm.s32 $0x9;
	_ =	strace $0x8000004B  }
0xb9: {  	_ =	swait.ge [sflag:s29], $0x1  }
0xba: {  	[sflag:s29] =	ssyncadd.s32 $0xFFFFFFFF  }
0xbb: {  	_ =	strace $0x9000004B  }
0xbc: {  	_ =	sfence  }
0xbd: {  	s30 =	sld [smem:$0x0];
	_ =	sdelay $0x2  }
0xbe: {  	s31 =	sshll.u32 s1, $0xD;
	s1 =	sshrl.u32 s1, $0x2  }
0xbf: {  	s3 =	sand.u32 $0x4000, s31;
	s1 =	sadd.s32 s1, s30  }
0xc0: {  	s0 =	sor.u32 s3, s0;
	s1 =	sshll.u32 s1, $0x11  }
0xc1: {  	s0 =	sor.u32 s1, s0  }
0xc2: {  	s0 =	sadd.s32 $0x8F2B, s0  }
0xc3: {  	[sflag:s0] =	ssyncadd.remote.s32 $0x1  }
0xc4: {  	_ =	sfence.sel $0xFFFF  }
0xc5: {  	[dreg:$0x0] =	wrdreg $0xFFFFFFFF;
	(pc) =	sbr.abs _section_cstart, $3  }
0xc6: {  	[dreg:$0x1] =	wrdreg $0xFFFFFFFF  }
0xc7: {  	_ =	task.clear_ibuf [dreg:s7], $0x2FFFF;
	_ =	strace $0x9FFFFFFF  }
0xc8: {  	(tm) =	ssettm $0x7FFFFFFF  }
0xc9: {  	_ =	shalt  }
tec
execute0_lowered:
.L_overlay_start_1:
0x0: {  	(tag) =	ssettag $0x1  }
0x1: {  	s0 =	srdreg.scid  }
0x2: {  	s1 =	rddreg [dreg:$0x0];
	s2 =	stileid.u32  }
0x3: {  	s4 =	rddreg [dreg:$0x1];
	s12 =	simm.s32 $0x3;
	s14 =	simm.s32 $0x100  }
0x4: {  	s15 =	simm.s32 $0xB100;
	s10 =	simm.s32 $0xB900;
	s16 =	simm.s32 $0xC100  }
0x5: {  	s11 =	simm.s32 $0xC900;
	s17 =	simm.s32 $0xD100;
	s18 =	simm.s32 $0xD900  }
0x6: {  	s19 =	simm.s32 $0xE100;
	s20 =	simm.s32 $0xE900;
	s21 =	simm.s32 $0xF100  }
0x7: {  	s22 =	simm.s32 $0xF900;
	s23 =	simm.s32 $0x1;
	s24 =	simm.s32 $0x2  }
0x8: {  	s9 =	simm.s32 $0x0;
	s0 =	sand.u32 $0x1, s0;
	s3 =	sshll.u32 s2, $0x7  }
0x9: {  	s2 =	simm.s32 $0x0;
	s8 =	sadd.s32 $0x36A100, s1;
	s5 =	sshll.u32 s0, $0x6  }
0xa: {  	[smem:$0x7FF] =	sst s2;
	s0 =	ssub.s32 $0x2, s0;
	s5 =	sor.u32 s5, s3  }
0xb: {  	s7 =	sshrl.u32 s0, $0x1;
	s3 =	sshrl.u32 s5, $0x3;
	s5 =	sshll.u32 s5, $0x7  }
0xc: {  	_ =	strace $0x8000004A;
	s0 =	ssub.s32 s0, s7;
	s31 =	sadd.s32 s4, s5  }
0xd: {  	s6 =	sadd.s32 s3, s1;
	s0 =	smax.u32 s0, $0x1;
	[dreg:$0x5] =	wrdreg s31  }
0xe: {  	s7 =	sadd.s32 $0x36A000, s1;
	s30 =	sadd.s32 $0x8E00, s6;
	[dreg:$0x7] =	wrdreg s0  }
0xf: {  	v2 =	vlaneseq.u32;
	s3 =	sadd.s32 $0x369E00, s1;
	s6 =	sadd.s32 $0x8F00, s6;
	[dreg:$0x3] =	wrdreg s30  }
0x10: {  	vm0 =	vmmov $0xffff;
	v1 =	vshrl.u32 v2, $0x3;
	[dreg:$0x4] =	wrdreg s6;
	s6 =	sadd.s32 $0x369F00, s1;
	s1 =	sadd.s32 $0x1000, s31  }
0x11: {  	v0 =	vand.u32 $0x7, v2;
	v2 =	vor.u32 $0x8, v2;
	v1 =	vmul.u32 $0x8, v1;
	s4 =	simm.s32 $0xA100;
	s5 =	simm.s32 $0xA900;
	[dreg:$0x6] =	wrdreg s1  }
.LBB2_1:
0x12: {  	s0 =	rddreg [dreg:$0x3]  }
0x13: {  	[tilespmem:s2], [sflag:$0x3] =	stream.linear.gather [hbm4b:s0+s2], $0x40, $0x38;
	[tilespmem:$0x10100] =	vst v63  }
0x14: {  	_ =	swait.ge [sflag:s12], $0x40  }
0x15: {  	[sflag:s12] =	ssyncset.done $0x0  }
0x16: {  	s1 =	simm.s32 $0x80;
	s26 =	rddreg [dreg:$0x4];
	[sflag:s12] =	ssyncadd.s32 $0xFFFFFFC0  }
0x17: {  	[tilespmem:s1], [sflag:$0x3] =	stream.linear.gather [hbm4b:s26+s2], $0x40, $0x38;
	[tilespmem:$0x10100] =	vst v63  }
0x18: {  	_ =	swait.ge [sflag:s12], $0x40  }
0x19: {  	[sflag:s12] =	ssyncset.done $0x0  }
0x1a: {  	[sflag:s12] =	ssyncadd.s32 $0xFFFFFFC0  }
0x1b: {  	v3 =	vld [tilespmem:$0x0];
	_ =	sdelay $0x4  }
0x1c: {  	v4 =	vshll.u32 v3, $0x3  }
0x1d: {  	v3 =	vand.u32 $0x7, v3;
	v4 =	vand.u32 $0xFFFFFFC0, v4  }
0x1e: {  	v3 =	vor.u32 v3, v4  }
0x1f: {  	v4 =	vperm.xlane v3, v0;
	_ =	sdelay $0x1  }
0x20: {  	v4 =	vadd.s32 v1, v4;
	_ =	sdelay $0x4  }
0x21: {  	[tilespmem:s14], [sflag:$0x1] =	stream.indirect_vreg.gather [hbm4b:s3+s2], $0x80, v4, vm0, $0xb8;
	[tilespmem:$0x10100] =	vst v63  }
0x22: {  	s13 =	simm.s32 $0x900;
	v3 =	vperm.xlane v3, v2  }
0x23: {  	[tilespmem:s13], [sflag:$0x1] =	stream.indirect_vreg.gather [hbm4b:s6+s2], $0x80, v4, vm0, $0xb8;
	[tilespmem:$0x10100] =	vst v63  }
0x24: {  	s25 =	simm.s32 $0x1100;
	v3 =	vadd.s32 v1, v3  }
0x25: {  	[tilespmem:s25], [sflag:$0x1] =	stream.indirect_vreg.gather [hbm4b:s7+s2], $0x80, v4, vm0, $0xb8;
	[tilespmem:$0x10100] =	vst v63  }
0x26: {  	s26 =	simm.s32 $0x1900  }
0x27: {  	[tilespmem:s26], [sflag:$0x1] =	stream.indirect_vreg.gather [hbm4b:s8+s2], $0x80, v4, vm0, $0xb8;
	[tilespmem:$0x10100] =	vst v63  }
0x28: {  	s1 =	simm.s32 $0x2100  }
0x29: {  	[tilespmem:s1], [sflag:$0x1] =	stream.indirect_vreg.gather [hbm4b:s3+s2], $0x80, v3, vm0, $0xb8;
	[tilespmem:$0x10100] =	vst v63  }
0x2a: {  	s13 =	simm.s32 $0x2900  }
0x2b: {  	[tilespmem:s13], [sflag:$0x1] =	stream.indirect_vreg.gather [hbm4b:s6+s2], $0x80, v3, vm0, $0xb8;
	[tilespmem:$0x10100] =	vst v63  }
0x2c: {  	s25 =	simm.s32 $0x3100  }
0x2d: {  	[tilespmem:s25], [sflag:$0x1] =	stream.indirect_vreg.gather [hbm4b:s7+s2], $0x80, v3, vm0, $0xb8;
	[tilespmem:$0x10100] =	vst v63  }
0x2e: {  	s26 =	simm.s32 $0x3900  }
0x2f: {  	[tilespmem:s26], [sflag:$0x1] =	stream.indirect_vreg.gather [hbm4b:s8+s2], $0x80, v3, vm0, $0xb8;
	[tilespmem:$0x10100] =	vst v63  }
0x30: {  	v3 =	vld [tilespmem:$0x10];
	_ =	sdelay $0x4  }
0x31: {  	v4 =	vshll.u32 v3, $0x3  }
0x32: {  	v3 =	vand.u32 $0x7, v3;
	v4 =	vand.u32 $0xFFFFFFC0, v4  }
0x33: {  	v3 =	vor.u32 v3, v4  }
0x34: {  	v4 =	vperm.xlane v3, v0;
	_ =	sdelay $0x1  }
0x35: {  	v4 =	vadd.s32 v1, v4;
	_ =	sdelay $0x3  }
0x36: {  	s1 =	simm.s32 $0x4100  }
0x37: {  	[tilespmem:s1], [sflag:$0x1] =	stream.indirect_vreg.gather [hbm4b:s3+s2], $0x80, v4, vm0, $0xb8;
	[tilespmem:$0x10100] =	vst v63  }
0x38: {  	s13 =	simm.s32 $0x4900;
	v3 =	vperm.xlane v3, v2  }
0x39: {  	[tilespmem:s13], [sflag:$0x1] =	stream.indirect_vreg.gather [hbm4b:s6+s2], $0x80, v4, vm0, $0xb8;
	[tilespmem:$0x10100] =	vst v63  }
0x3a: {  	s25 =	simm.s32 $0x5100;
	v3 =	vadd.s32 v1, v3  }
0x3b: {  	[tilespmem:s25], [sflag:$0x1] =	stream.indirect_vreg.gather [hbm4b:s7+s2], $0x80, v4, vm0, $0xb8;
	[tilespmem:$0x10100] =	vst v63  }
0x3c: {  	s26 =	simm.s32 $0x5900  }
0x3d: {  	[tilespmem:s26], [sflag:$0x1] =	stream.indirect_vreg.gather [hbm4b:s8+s2], $0x80, v4, vm0, $0xb8;
	[tilespmem:$0x10100] =	vst v63  }
0x3e: {  	s1 =	simm.s32 $0x6100  }
0x3f: {  	[tilespmem:s1], [sflag:$0x1] =	stream.indirect_vreg.gather [hbm4b:s3+s2], $0x80, v3, vm0, $0xb8;
	[tilespmem:$0x10100] =	vst v63  }
0x40: {  	s13 =	simm.s32 $0x6900  }
0x41: {  	[tilespmem:s13], [sflag:$0x1] =	stream.indirect_vreg.gather [hbm4b:s6+s2], $0x80, v3, vm0, $0xb8;
	[tilespmem:$0x10100] =	vst v63  }
0x42: {  	s25 =	simm.s32 $0x7100  }
0x43: {  	[tilespmem:s25], [sflag:$0x1] =	stream.indirect_vreg.gather [hbm4b:s7+s2], $0x80, v3, vm0, $0xb8;
	[tilespmem:$0x10100] =	vst v63  }
0x44: {  	s26 =	simm.s32 $0x7900  }
0x45: {  	[tilespmem:s26], [sflag:$0x1] =	stream.indirect_vreg.gather [hbm4b:s8+s2], $0x80, v3, vm0, $0xb8;
	[tilespmem:$0x10100] =	vst v63  }
0x46: {  	v3 =	vld [tilespmem:$0x80];
	_ =	sdelay $0x4  }
0x47: {  	v4 =	vshll.u32 v3, $0x3  }
0x48: {  	v3 =	vand.u32 $0x7, v3;
	v4 =	vand.u32 $0xFFFFFFC0, v4  }
0x49: {  	v3 =	vor.u32 v3, v4  }
0x4a: {  	v4 =	vperm.xlane v3, v0;
	_ =	sdelay $0x1  }
0x4b: {  	v4 =	vadd.s32 v1, v4;
	_ =	sdelay $0x3  }
0x4c: {  	s1 =	simm.s32 $0x8100  }
0x4d: {  	[tilespmem:s1], [sflag:$0x2] =	stream.indirect_vreg.gather [hbm4b:s3+s2], $0x80, v4, vm0, $0xb8;
	[tilespmem:$0x10100] =	vst v63  }
0x4e: {  	s13 =	simm.s32 $0x8900;
	v3 =	vperm.xlane v3, v2  }
0x4f: {  	[tilespmem:s13], [sflag:$0x2] =	stream.indirect_vreg.gather [hbm4b:s6+s2], $0x80, v4, vm0, $0xb8;
	[tilespmem:$0x10100] =	vst v63  }
0x50: {  	s25 =	simm.s32 $0x9100;
	v3 =	vadd.s32 v1, v3  }
0x51: {  	[tilespmem:s25], [sflag:$0x2] =	stream.indirect_vreg.gather [hbm4b:s7+s2], $0x80, v4, vm0, $0xb8;
	[tilespmem:$0x10100] =	vst v63  }
0x52: {  	s26 =	simm.s32 $0x9900  }
0x53: {  	[tilespmem:s26], [sflag:$0x2] =	stream.indirect_vreg.gather [hbm4b:s8+s2], $0x80, v4, vm0, $0xb8;
	[tilespmem:$0x10100] =	vst v63  }
0x54: {  	_ = 	snop  }
0x55: {  	[tilespmem:s4], [sflag:$0x2] =	stream.indirect_vreg.gather [hbm4b:s3+s2], $0x80, v3, vm0, $0xb8;
	[tilespmem:$0x10100] =	vst v63  }
0x56: {  	_ = 	snop  }
0x57: {  	[tilespmem:s5], [sflag:$0x2] =	stream.indirect_vreg.gather [hbm4b:s6+s2], $0x80, v3, vm0, $0xb8;
	[tilespmem:$0x10100] =	vst v63  }
0x58: {  	_ = 	snop  }
0x59: {  	[tilespmem:s15], [sflag:$0x2] =	stream.indirect_vreg.gather [hbm4b:s7+s2], $0x80, v3, vm0, $0xb8;
	[tilespmem:$0x10100] =	vst v63  }
0x5a: {  	_ = 	snop  }
0x5b: {  	[tilespmem:s10], [sflag:$0x2] =	stream.indirect_vreg.gather [hbm4b:s8+s2], $0x80, v3, vm0, $0xb8;
	[tilespmem:$0x10100] =	vst v63  }
0x5c: {  	v3 =	vld [tilespmem:$0x90];
	_ =	sdelay $0x4  }
0x5d: {  	v4 =	vshll.u32 v3, $0x3  }
0x5e: {  	v3 =	vand.u32 $0x7, v3;
	v4 =	vand.u32 $0xFFFFFFC0, v4  }
0x5f: {  	v3 =	vor.u32 v3, v4  }
0x60: {  	v4 =	vperm.xlane v3, v0;
	_ =	sdelay $0x1  }
0x61: {  	v4 =	vadd.s32 v1, v4;
	_ =	sdelay $0x4  }
0x62: {  	[tilespmem:s16], [sflag:$0x2] =	stream.indirect_vreg.gather [hbm4b:s3+s2], $0x80, v4, vm0, $0xb8;
	[tilespmem:$0x10100] =	vst v63  }
0x63: {  	v3 =	vperm.xlane v3, v2  }
0x64: {  	[tilespmem:s11], [sflag:$0x2] =	stream.indirect_vreg.gather [hbm4b:s6+s2], $0x80, v4, vm0, $0xb8;
	[tilespmem:$0x10100] =	vst v63  }
0x65: {  	v3 =	vadd.s32 v1, v3  }
0x66: {  	[tilespmem:s17], [sflag:$0x2] =	stream.indirect_vreg.gather [hbm4b:s7+s2], $0x80, v4, vm0, $0xb8;
	[tilespmem:$0x10100] =	vst v63  }
0x67: {  	_ = 	snop  }
0x68: {  	[tilespmem:s18], [sflag:$0x2] =	stream.indirect_vreg.gather [hbm4b:s8+s2], $0x80, v4, vm0, $0xb8;
	[tilespmem:$0x10100] =	vst v63  }
0x69: {  	_ = 	snop  }
0x6a: {  	[tilespmem:s19], [sflag:$0x2] =	stream.indirect_vreg.gather [hbm4b:s3+s2], $0x80, v3, vm0, $0xb8;
	[tilespmem:$0x10100] =	vst v63  }
0x6b: {  	_ = 	snop  }
0x6c: {  	[tilespmem:s20], [sflag:$0x2] =	stream.indirect_vreg.gather [hbm4b:s6+s2], $0x80, v3, vm0, $0xb8;
	[tilespmem:$0x10100] =	vst v63  }
0x6d: {  	_ = 	snop  }
0x6e: {  	[tilespmem:s21], [sflag:$0x2] =	stream.indirect_vreg.gather [hbm4b:s7+s2], $0x80, v3, vm0, $0xb8;
	[tilespmem:$0x10100] =	vst v63  }
0x6f: {  	_ = 	snop  }
0x70: {  	[tilespmem:s22], [sflag:$0x2] =	stream.indirect_vreg.gather [hbm4b:s8+s2], $0x80, v3, vm0, $0xb8;
	[tilespmem:$0x10100] =	vst v63  }
0x71: {  	_ =	swait.ge [sflag:s23], $0x8000  }
0x72: {  	s28 =	simm.s32 $0x0;
	s0 =	sand.u32 $0x70, s2;
	[sflag:s23] =	ssyncset.done $0x0  }
0x73: {  	s25 =	simm.s32 $0x0;
	s26 =	sand.u32 $0x1C00, s2;
	[sflag:s23] =	ssyncadd.s32 $0xFFFF8000  }
0x74: {  	s25 =	sand.u32 $0x6000, s25;
	s1 =	sor.u32 s26, s0;
	_ =	swait.ge [sflag:s24], $0x8000  }
0x75: {  	s13 =	sand.u32 $0x380, s28;
	s1 =	sor.u32 s25, s1;
	[sflag:s24] =	ssyncset.done $0x0  }
0x76: {  	s25 =	sor.u32 s13, s1;
	[sflag:s24] =	ssyncadd.s32 $0xFFFF8000  }
0x77: {  	v3 =	vld [tilespmem:s25+$0x8100]  }
0x78: {  	v4 =	vld [tilespmem:s25+$0x100];
	_ =	sdelay $0x1  }
0x79: {  	s30 =	simm.s32 $0x2;
	s28 =	simm.s32 $0x10;
	s26 =	simm.s32 $0x80  }
0x7a: {  	s29 =	simm.s32 $0x10;
	s0 =	sand.u32 $0x70, s28;
	s13 =	sand.u32 $0x1C00, s26  }
0x7b: {  	s31 =	sand.u32 $0x6000, s29;
	s29 =	simm.s32 $0x2;
	s1 =	sor.u32 s13, s0  }
.LBB2_2:
0x7c: {  	p0 =	sne.s32 s29, $0x7FF;
	s0 =	sand.u32 $0x380, s30;
	s1 =	sor.u32 s31, s1;
	v4 =	vadd.f32 v3, v4  }
0x7d: {  	s0 =	sor.u32 s0, s1  }
0x7e: {  	v3 =	vld [tilespmem:s0+$0x8100];
	[tilespmem:s25+$0x100] =	vst v4;
	s25 =	smov.u32 s0  }
.Ltmp0:
0x7f: {  	v4 =	vld [tilespmem:s25+$0x100];
	(pc) =	sbr.rel @p0 .LBB2_2-.Ltmp0, $4  }
0x80: {  	_ = 	snop  }
0x81: {  	s30 =	sshll.u32 s29, $0x1;
	s26 =	sadd.s32 $0x80, s26;
	s28 =	sadd.s32 $0x10, s28  }
0x82: {  	s1 =	sshll.u32 s29, $0x4;
	s13 =	sand.u32 $0x1C00, s26;
	s0 =	sand.u32 $0x70, s28  }
0x83: {  	s29 =	sadd.s32 $0x1, s29;
	s31 =	sand.u32 $0x6000, s1;
	s1 =	sor.u32 s13, s0  }
0x84: {  	s0 =	sand.u32 $0x380, s30;
	s1 =	sor.u32 s31, s1;
	v3 =	vadd.f32 v3, v4  }
0x85: {  	s0 =	sor.u32 s0, s1  }
0x86: {  	v4 =	vld [tilespmem:s0+$0x8100];
	[tilespmem:s25+$0x100] =	vst v3  }
0x87: {  	v3 =	vld [tilespmem:s0+$0x100];
	_ =	sdelay $0x4  }
0x88: {  	v3 =	vadd.f32 v4, v3;
	_ =	sdelay $0x1  }
0x89: {  	s1 =	rddreg [dreg:$0x5];
	s25 =	simm.s32 $0x0;
	[tilespmem:s0+$0x100] =	vst v3  }
0x8a: {  	[hbm4b:s1+s25] =	stream.linear.scatter [tilespmem:s14], [sflag:$0x3], $0x8000, $0x38;
	[tilespmem:$0x10100] =	vst v63  }
0x8b: {  	_ =	swait.ge [sflag:s12], $0x8000  }
0x8c: {  	[sflag:s12] =	ssyncset.done $0x0  }
0x8d: {  	[sflag:s12] =	ssyncadd.s32 $0xFFFF8000  }
0x8e: {  	v3 =	vld [tilespmem:$0x20];
	_ =	sdelay $0x4  }
0x8f: {  	v4 =	vshll.u32 v3, $0x3  }
0x90: {  	v3 =	vand.u32 $0x7, v3;
	v4 =	vand.u32 $0xFFFFFFC0, v4  }
0x91: {  	v3 =	vor.u32 v3, v4  }
0x92: {  	v4 =	vperm.xlane v3, v0;
	_ =	sdelay $0x1  }
0x93: {  	v4 =	vadd.s32 v1, v4;
	_ =	sdelay $0x4  }
0x94: {  	[tilespmem:s14], [sflag:$0x1] =	stream.indirect_vreg.gather [hbm4b:s3+s25], $0x80, v4, vm0, $0xb8;
	[tilespmem:$0x10100] =	vst v63  }
0x95: {  	s13 =	simm.s32 $0x900;
	v3 =	vperm.xlane v3, v2  }
0x96: {  	[tilespmem:s13], [sflag:$0x1] =	stream.indirect_vreg.gather [hbm4b:s6+s25], $0x80, v4, vm0, $0xb8;
	[tilespmem:$0x10100] =	vst v63  }
0x97: {  	s26 =	simm.s32 $0x1100;
	v3 =	vadd.s32 v1, v3  }
0x98: {  	[tilespmem:s26], [sflag:$0x1] =	stream.indirect_vreg.gather [hbm4b:s7+s25], $0x80, v4, vm0, $0xb8;
	[tilespmem:$0x10100] =	vst v63  }
0x99: {  	s1 =	simm.s32 $0x1900  }
0x9a: {  	[tilespmem:s1], [sflag:$0x1] =	stream.indirect_vreg.gather [hbm4b:s8+s25], $0x80, v4, vm0, $0xb8;
	[tilespmem:$0x10100] =	vst v63  }
0x9b: {  	s13 =	simm.s32 $0x2100  }
0x9c: {  	[tilespmem:s13], [sflag:$0x1] =	stream.indirect_vreg.gather [hbm4b:s3+s25], $0x80, v3, vm0, $0xb8;
	[tilespmem:$0x10100] =	vst v63  }
0x9d: {  	s26 =	simm.s32 $0x2900  }
0x9e: {  	[tilespmem:s26], [sflag:$0x1] =	stream.indirect_vreg.gather [hbm4b:s6+s25], $0x80, v3, vm0, $0xb8;
	[tilespmem:$0x10100] =	vst v63  }
0x9f: {  	s1 =	simm.s32 $0x3100  }
0xa0: {  	[tilespmem:s1], [sflag:$0x1] =	stream.indirect_vreg.gather [hbm4b:s7+s25], $0x80, v3, vm0, $0xb8;
	[tilespmem:$0x10100] =	vst v63  }
0xa1: {  	s13 =	simm.s32 $0x3900  }
0xa2: {  	[tilespmem:s13], [sflag:$0x1] =	stream.indirect_vreg.gather [hbm4b:s8+s25], $0x80, v3, vm0, $0xb8;
	[tilespmem:$0x10100] =	vst v63  }
0xa3: {  	v3 =	vld [tilespmem:$0x30];
	_ =	sdelay $0x4  }
0xa4: {  	v4 =	vshll.u32 v3, $0x3  }
0xa5: {  	v3 =	vand.u32 $0x7, v3;
	v4 =	vand.u32 $0xFFFFFFC0, v4  }
0xa6: {  	v3 =	vor.u32 v3, v4  }
0xa7: {  	v4 =	vperm.xlane v3, v0;
	_ =	sdelay $0x1  }
0xa8: {  	v4 =	vadd.s32 v1, v4;
	_ =	sdelay $0x3  }
0xa9: {  	s26 =	simm.s32 $0x4100  }
0xaa: {  	[tilespmem:s26], [sflag:$0x1] =	stream.indirect_vreg.gather [hbm4b:s3+s25], $0x80, v4, vm0, $0xb8;
	[tilespmem:$0x10100] =	vst v63  }
0xab: {  	s1 =	simm.s32 $0x4900;
	v3 =	vperm.xlane v3, v2  }
0xac: {  	[tilespmem:s1], [sflag:$0x1] =	stream.indirect_vreg.gather [hbm4b:s6+s25], $0x80, v4, vm0, $0xb8;
	[tilespmem:$0x10100] =	vst v63  }
0xad: {  	s13 =	simm.s32 $0x5100;
	v3 =	vadd.s32 v1, v3  }
0xae: {  	[tilespmem:s13], [sflag:$0x1] =	stream.indirect_vreg.gather [hbm4b:s7+s25], $0x80, v4, vm0, $0xb8;
	[tilespmem:$0x10100] =	vst v63  }
0xaf: {  	s26 =	simm.s32 $0x5900  }
0xb0: {  	[tilespmem:s26], [sflag:$0x1] =	stream.indirect_vreg.gather [hbm4b:s8+s25], $0x80, v4, vm0, $0xb8;
	[tilespmem:$0x10100] =	vst v63  }
0xb1: {  	s1 =	simm.s32 $0x6100  }
0xb2: {  	[tilespmem:s1], [sflag:$0x1] =	stream.indirect_vreg.gather [hbm4b:s3+s25], $0x80, v3, vm0, $0xb8;
	[tilespmem:$0x10100] =	vst v63  }
0xb3: {  	s13 =	simm.s32 $0x6900  }
0xb4: {  	[tilespmem:s13], [sflag:$0x1] =	stream.indirect_vreg.gather [hbm4b:s6+s25], $0x80, v3, vm0, $0xb8;
	[tilespmem:$0x10100] =	vst v63  }
0xb5: {  	s26 =	simm.s32 $0x7100  }
0xb6: {  	[tilespmem:s26], [sflag:$0x1] =	stream.indirect_vreg.gather [hbm4b:s7+s25], $0x80, v3, vm0, $0xb8;
	[tilespmem:$0x10100] =	vst v63  }
0xb7: {  	s1 =	simm.s32 $0x7900  }
0xb8: {  	[tilespmem:s1], [sflag:$0x1] =	stream.indirect_vreg.gather [hbm4b:s8+s25], $0x80, v3, vm0, $0xb8;
	[tilespmem:$0x10100] =	vst v63  }
0xb9: {  	v3 =	vld [tilespmem:$0xA0];
	_ =	sdelay $0x4  }
0xba: {  	v4 =	vshll.u32 v3, $0x3  }
0xbb: {  	v3 =	vand.u32 $0x7, v3;
	v4 =	vand.u32 $0xFFFFFFC0, v4  }
0xbc: {  	v3 =	vor.u32 v3, v4  }
0xbd: {  	v4 =	vperm.xlane v3, v0;
	_ =	sdelay $0x1  }
0xbe: {  	v4 =	vadd.s32 v1, v4;
	_ =	sdelay $0x3  }
0xbf: {  	s13 =	simm.s32 $0x8100  }
0xc0: {  	[tilespmem:s13], [sflag:$0x2] =	stream.indirect_vreg.gather [hbm4b:s3+s25], $0x80, v4, vm0, $0xb8;
	[tilespmem:$0x10100] =	vst v63  }
0xc1: {  	s26 =	simm.s32 $0x8900;
	v3 =	vperm.xlane v3, v2  }
0xc2: {  	[tilespmem:s26], [sflag:$0x2] =	stream.indirect_vreg.gather [hbm4b:s6+s25], $0x80, v4, vm0, $0xb8;
	[tilespmem:$0x10100] =	vst v63  }
0xc3: {  	s1 =	simm.s32 $0x9100;
	v3 =	vadd.s32 v1, v3  }
0xc4: {  	[tilespmem:s1], [sflag:$0x2] =	stream.indirect_vreg.gather [hbm4b:s7+s25], $0x80, v4, vm0, $0xb8;
	[tilespmem:$0x10100] =	vst v63  }
0xc5: {  	s13 =	simm.s32 $0x9900  }
0xc6: {  	[tilespmem:s13], [sflag:$0x2] =	stream.indirect_vreg.gather [hbm4b:s8+s25], $0x80, v4, vm0, $0xb8;
	[tilespmem:$0x10100] =	vst v63  }
0xc7: {  	_ = 	snop  }
0xc8: {  	[tilespmem:s4], [sflag:$0x2] =	stream.indirect_vreg.gather [hbm4b:s3+s25], $0x80, v3, vm0, $0xb8;
	[tilespmem:$0x10100] =	vst v63  }
0xc9: {  	_ = 	snop  }
0xca: {  	[tilespmem:s5], [sflag:$0x2] =	stream.indirect_vreg.gather [hbm4b:s6+s25], $0x80, v3, vm0, $0xb8;
	[tilespmem:$0x10100] =	vst v63  }
0xcb: {  	_ = 	snop  }
0xcc: {  	[tilespmem:s15], [sflag:$0x2] =	stream.indirect_vreg.gather [hbm4b:s7+s25], $0x80, v3, vm0, $0xb8;
	[tilespmem:$0x10100] =	vst v63  }
0xcd: {  	_ = 	snop  }
0xce: {  	[tilespmem:s10], [sflag:$0x2] =	stream.indirect_vreg.gather [hbm4b:s8+s25], $0x80, v3, vm0, $0xb8;
	[tilespmem:$0x10100] =	vst v63  }
0xcf: {  	v3 =	vld [tilespmem:$0xB0];
	_ =	sdelay $0x4  }
0xd0: {  	v4 =	vshll.u32 v3, $0x3  }
0xd1: {  	v3 =	vand.u32 $0x7, v3;
	v4 =	vand.u32 $0xFFFFFFC0, v4  }
0xd2: {  	v3 =	vor.u32 v3, v4  }
0xd3: {  	v4 =	vperm.xlane v3, v0;
	_ =	sdelay $0x1  }
0xd4: {  	v4 =	vadd.s32 v1, v4;
	_ =	sdelay $0x4  }
0xd5: {  	[tilespmem:s16], [sflag:$0x2] =	stream.indirect_vreg.gather [hbm4b:s3+s25], $0x80, v4, vm0, $0xb8;
	[tilespmem:$0x10100] =	vst v63  }
0xd6: {  	v3 =	vperm.xlane v3, v2  }
0xd7: {  	[tilespmem:s11], [sflag:$0x2] =	stream.indirect_vreg.gather [hbm4b:s6+s25], $0x80, v4, vm0, $0xb8;
	[tilespmem:$0x10100] =	vst v63  }
0xd8: {  	v3 =	vadd.s32 v1, v3  }
0xd9: {  	[tilespmem:s17], [sflag:$0x2] =	stream.indirect_vreg.gather [hbm4b:s7+s25], $0x80, v4, vm0, $0xb8;
	[tilespmem:$0x10100] =	vst v63  }
0xda: {  	_ = 	snop  }
0xdb: {  	[tilespmem:s18], [sflag:$0x2] =	stream.indirect_vreg.gather [hbm4b:s8+s25], $0x80, v4, vm0, $0xb8;
	[tilespmem:$0x10100] =	vst v63  }
0xdc: {  	_ = 	snop  }
0xdd: {  	[tilespmem:s19], [sflag:$0x2] =	stream.indirect_vreg.gather [hbm4b:s3+s25], $0x80, v3, vm0, $0xb8;
	[tilespmem:$0x10100] =	vst v63  }
0xde: {  	_ = 	snop  }
0xdf: {  	[tilespmem:s20], [sflag:$0x2] =	stream.indirect_vreg.gather [hbm4b:s6+s25], $0x80, v3, vm0, $0xb8;
	[tilespmem:$0x10100] =	vst v63  }
0xe0: {  	_ = 	snop  }
0xe1: {  	[tilespmem:s21], [sflag:$0x2] =	stream.indirect_vreg.gather [hbm4b:s7+s25], $0x80, v3, vm0, $0xb8;
	[tilespmem:$0x10100] =	vst v63  }
0xe2: {  	_ = 	snop  }
0xe3: {  	[tilespmem:s22], [sflag:$0x2] =	stream.indirect_vreg.gather [hbm4b:s8+s25], $0x80, v3, vm0, $0xb8;
	[tilespmem:$0x10100] =	vst v63  }
0xe4: {  	_ =	swait.ge [sflag:s23], $0x8000  }
0xe5: {  	s0 =	sand.u32 $0x70, s25;
	s26 =	simm.s32 $0x0;
	[sflag:s23] =	ssyncset.done $0x0  }
0xe6: {  	s1 =	simm.s32 $0x0;
	s13 =	sand.u32 $0x1C00, s25;
	[sflag:s23] =	ssyncadd.s32 $0xFFFF8000  }
0xe7: {  	s1 =	sand.u32 $0x6000, s1;
	s0 =	sor.u32 s13, s0;
	_ =	swait.ge [sflag:s24], $0x8000  }
0xe8: {  	s26 =	sand.u32 $0x380, s26;
	s0 =	sor.u32 s1, s0;
	[sflag:s24] =	ssyncset.done $0x0  }
0xe9: {  	s25 =	sor.u32 s26, s0;
	[sflag:s24] =	ssyncadd.s32 $0xFFFF8000  }
0xea: {  	v3 =	vld [tilespmem:s25+$0x8100]  }
0xeb: {  	v4 =	vld [tilespmem:s25+$0x100];
	_ =	sdelay $0x1  }
0xec: {  	s30 =	simm.s32 $0x2;
	s28 =	simm.s32 $0x10;
	s26 =	simm.s32 $0x80  }
0xed: {  	s1 =	simm.s32 $0x10;
	s0 =	sand.u32 $0x70, s28;
	s13 =	sand.u32 $0x1C00, s26  }
0xee: {  	s29 =	simm.s32 $0x2;
	s31 =	sand.u32 $0x6000, s1;
	s1 =	sor.u32 s13, s0  }
.LBB2_4:
0xef: {  	p0 =	sne.s32 s29, $0x7FF;
	s0 =	sand.u32 $0x380, s30;
	s1 =	sor.u32 s31, s1;
	v4 =	vadd.f32 v3, v4  }
0xf0: {  	s0 =	sor.u32 s0, s1  }
0xf1: {  	v3 =	vld [tilespmem:s0+$0x8100];
	[tilespmem:s25+$0x100] =	vst v4;
	s25 =	smov.u32 s0  }
.Ltmp1:
0xf2: {  	v4 =	vld [tilespmem:s25+$0x100];
	(pc) =	sbr.rel @p0 .LBB2_4-.Ltmp1, $4  }
0xf3: {  	_ = 	snop  }
0xf4: {  	s30 =	sshll.u32 s29, $0x1;
	s26 =	sadd.s32 $0x80, s26;
	s28 =	sadd.s32 $0x10, s28  }
0xf5: {  	s1 =	sshll.u32 s29, $0x4;
	s13 =	sand.u32 $0x1C00, s26;
	s0 =	sand.u32 $0x70, s28  }
0xf6: {  	s29 =	sadd.s32 $0x1, s29;
	s31 =	sand.u32 $0x6000, s1;
	s1 =	sor.u32 s13, s0  }
0xf7: {  	s0 =	sand.u32 $0x380, s30;
	s1 =	sor.u32 s31, s1;
	v3 =	vadd.f32 v3, v4  }
0xf8: {  	s0 =	sor.u32 s0, s1  }
0xf9: {  	v63 =	vld [tilespmem:s0+$0x8100];
	[tilespmem:s25+$0x100] =	vst v3  }
0xfa: {  	v3 =	vld [tilespmem:s0+$0x100];
	_ =	sdelay $0x4  }
0xfb: {  	v3 =	vadd.f32 v63, v3;
	_ =	sdelay $0x1  }
0xfc: {  	s30 =	rddreg [dreg:$0x6];
	[tilespmem:s0+$0x100] =	vst v3  }
0xfd: {  	[hbm4b:s30+s2] =	stream.linear.scatter [tilespmem:s14], [sflag:$0x3], $0x8000, $0x38;
	[tilespmem:$0x10100] =	vst v63  }
0xfe: {  	_ =	swait.ge [sflag:s12], $0x8000  }
0xff: {  	s9 =	sadd.s32 $0x1, s9;
	s31 =	rddreg [dreg:$0x7]  }
0x100: {  	p0 =	sne.s32 s9, s31  }
.Ltmp2:
0x101: {  	_ = 	snop;
	(pc) =	sbr.rel @p0 .LBB2_1-.Ltmp2, $3  }
0x102: {  	_ =	sdelay $0x1  }
0x103: {  	[sflag:s12] =	ssyncset.done $0x0  }
0x104: {  	[sflag:s12] =	ssyncadd.s32 $0xFFFF8000  }
0x105: {  	_ =	sfence.sel $0x180000  }
0x106: {  	[bflag:$0x0] =	sbarrier.arrive $0xFFFF  }
0x107: {  	_ =	strace $0x9000004A  }
0x108: {  	s0 =	stileid.u32;
	[bflag:$0x2] =	sbarrier.arrive $0xFFFF  }
0x109: {  	p0 =	sne.s32 s0, $0x0;
	s0 =	rddreg [dreg:$0x2]  }
0x10a: {  	s0 =	sadd.s32 @!p0 $0x100000, s0  }
0x10b: {  	[sflag:s0] =	ssyncadd.tile.s32 @!p0 $0x1;
	_ =	shalt  }
.Lfunc_end2:
_tile_overlayer_lowered:
.L_overlay_start_2:
0x10c: {  	(tag) =	ssettag $0x2  }
0x10d: {  	s0 =	rddreg [dreg:$0x0];
	s2 =	stileid.u32  }
0x10e: {  	s1 =	rddreg [dreg:$0x1];
	p0 =	sne.s32 s2, $0x0  }
0x10f: {  	s3 =	rddreg [dreg:$0x2];
	[bflag:$0x3] =	sbarrier.arrive $0xFFFF;
	s2 =	simm.s32 @!p0 $0x1C03  }
0x110: {  	[timem:s3], [sflag:s2] =	dma.local @!p0 [hbm:s0], s1  }
0x111: {  	s0 =	simm.s32 @!p0 $0x3  }
0x112: {  	_ =	swait.ge @!p0 [sflag:s0], s1  }
0x113: {  	s1 =	ssub.s32 @!p0 $0x0, s1;
	[sflag:s0] =	ssyncset.done @!p0 $0x0  }
0x114: {  	[sflag:s0] =	ssyncadd.s32 @!p0 s1  }
0x115: {  	[bflag:$0x3] =	sbarrier.arrive $0xFFFF  }
0x116: {  	_ =	shalt  }

// kernel: kernel.8.cloned.1.call-start
scs
__scs_entry_jumppad:
0x0: {  	(pc) =	sbr.rel $0x88, $3  }
0x1: {  	(tag) =	ssettag $0x0;
	lr =	simm.s32 $0x1  }
0x2: {  	[smem:$0x3F9C] =	sst lr;
	_ =	strace $0xD0000000  }
0x3: {  	_ = 	snop  }
0x4: {  	_ = 	snop  }
0x5: {  	_ = 	snop  }
0x6: {  	_ = 	snop  }
0x7: {  	_ = 	snop  }
__scs_overlays_trampoline_lowered:
0x8: {  	[smem:$0x3FAB] =	sst s0  }
0x9: {  	[smem:$0x3FAC] =	sst s1  }
0xa: {  	[smem:$0x3FAD] =	sst s2  }
0xb: {  	[smem:$0x3FAE] =	sst s3  }
0xc: {  	[smem:$0x3FAF] =	sst s4  }
0xd: {  	[smem:$0x3FB0] =	sst s5  }
0xe: {  	[smem:$0x3FB1] =	sst s6  }
0xf: {  	[smem:$0x3FB2] =	sst s7  }
0x10: {  	[smem:$0x3FB3] =	sst s8  }
0x11: {  	[smem:$0x3FB4] =	sst s9;
	s0 =	simm.s32 @!p0 $0x0  }
0x12: {  	s1 =	sld [smem:$0x3F9A];
	s0 =	simm.s32 @p0 $0x1  }
0x13: {  	[smem:$0x3FB5] =	sst s0;
	s0 =	simm.s32 @!p1 $0x0  }
0x14: {  	s2 =	sld [smem:$0x3F99];
	s0 =	simm.s32 @p1 $0x1  }
0x15: {  	[smem:$0x3FB6] =	sst s0;
	s0 =	simm.s32 @!p2 $0x0  }
0x16: {  	s3 =	sld [smem:$0x3FDB];
	s0 =	simm.s32 @p2 $0x1  }
0x17: {  	s4 =	simm.s32 $0x1BF5;
	[smem:$0x3FB8] =	sst s0  }
0x18: {  	s0 =	sld [smem:$0x3F9B];
	_ =	swait.ge [sflag:s4], $0x0  }
0x19: {  	s7 =	sld [smem:$0x3F9C]  }
0x1a: {  	s8 =	sadd.s32 $0xFFFFE003, lr  }
0x1b: {  	s9 =	sadd.s32 $0xFFFFFEF7, lr;
	s5 =	simm.s32 $0xFFFFFFFF;
	p2 =	slt.u32 s8, $0xFFFFF086  }
0x1c: {  	p1 =	slt.u32 s9, $0xF7A;
	s5 =	simm.s32 @!p2 $0x0  }
0x1d: {  	s5 =	simm.s32 @p1 $0x1;
	p0 =	seq.s32 s7, s2  }
0x1e: {  	s7 =	smul.u32 @!p0 $0xF7A, s2;
	p2 =	seq.s32 @!p0 s5, $0x0  }
0x1f: {  	s9 =	smul.u32 $0xF7A, s1;
	s8 =	simm.s32 @!p0 $0x1BF5;
	p2 =	por !p2, p0  }
0x20: {  	[sflag:s8] =	ssyncset.s32 @!p0 $0xFFFFF086;
	s6 =	sadd.s32 @!p0 s3, s7;
	s7 =	simm.s32 @!p0 $0x108  }
0x21: {  	s3 =	sadd.s32 s3, s9;
	s6 =	sadd.s32 @!p0 $0x88, s6;
	s7 =	simm.s32 @p2 $0x1082  }
0x22: {  	[simem:s7], [sflag:s8] =	dma.local @!p0 [hbm:s6], $0xF7A  }
0x23: {  	s9 =	sor.u32 $0xD0000000, s2;
	s6 =	simm.s32 $0x108;
	_ =	swait.ge @!p0 [sflag:s8], $0x0  }
0x24: {  	s3 =	sadd.s32 $0x88, s3;
	s6 =	simm.s32 @!p1 $0x1082;
	[sflag:s4] =	ssyncset.s32 $0xFFFFF086  }
0x25: {  	[simem:s6], [sflag:s4] =	dma.local [hbm:s3], $0xF7A  }
0x26: {  	[smem:$0x3F9C] =	sst s1;
	(tag) =	ssettag s2;
	_ =	strace s9  }
0x27: {  	s1 =	sld [smem:$0x3FAC]  }
0x28: {  	s2 =	sld [smem:$0x3FAD]  }
0x29: {  	s4 =	sld [smem:$0x3FAF]  }
0x2a: {  	p0 =	seq.s32 s5, $0x0;
	s5 =	sld [smem:$0x3FB0]  }
0x2b: {  	s6 =	sld [smem:$0x3FB1]  }
0x2c: {  	s7 =	sld [smem:$0x3FB2]  }
0x2d: {  	s3 =	simm.s32 $0x108;
	s8 =	sld [smem:$0x3FB3]  }
0x2e: {  	s3 =	simm.s32 @!p0 $0x1082;
	s9 =	sld [smem:$0x3FB4]  }
0x2f: {  	lr =	sadd.s32 s0, s3;
	s0 =	sld [smem:$0x3FAB]  }
0x30: {  	s3 =	sld [smem:$0x3FAE]  }
0x31: {  	[smem:$0x3FB7] =	sst s10  }
0x32: {  	s10 =	sld [smem:$0x3FB5];
	_ =	sdelay $0x3  }
0x33: {  	p0 =	seq.s32 s10, $0x1;
	s10 =	sld [smem:$0x3FB7];
	_ =	sdelay $0x3  }
0x34: {  	[smem:$0x3FB7] =	sst s10  }
0x35: {  	s10 =	sld [smem:$0x3FB6];
	_ =	sdelay $0x3  }
0x36: {  	p1 =	seq.s32 s10, $0x1;
	s10 =	sld [smem:$0x3FB7];
	_ =	sdelay $0x3  }
0x37: {  	[smem:$0x3FB7] =	sst s10  }
0x38: {  	s10 =	sld [smem:$0x3FB8]  }
0x39: {  	_ = 	snop;
	(pc) =	sbr.ind lr, $3  }
0x3a: {  	_ = 	snop  }
0x3b: {  	_ = 	snop  }
0x3c: {  	p2 =	seq.s32 s10, $0x1;
	s10 =	sld [smem:$0x3FB7]  }
0x3d: {  	_ =	shalt  }
0x3e: {  	_ =	shalt  }
0x3f: {  	_ =	shalt  }
0x40: {  	_ =	shalt  }
0x41: {  	_ =	shalt  }
0x42: {  	_ =	shalt  }
0x43: {  	_ =	shalt  }
0x44: {  	_ =	shalt  }
0x45: {  	_ =	shalt  }
0x46: {  	_ =	shalt  }
0x47: {  	_ =	shalt  }
0x48: {  	_ =	shalt  }
0x49: {  	_ =	shalt  }
0x4a: {  	_ =	shalt  }
0x4b: {  	_ =	shalt  }
0x4c: {  	_ =	shalt  }
0x4d: {  	_ =	shalt  }
0x4e: {  	_ =	shalt  }
0x4f: {  	_ =	shalt  }
0x50: {  	_ =	shalt  }
0x51: {  	_ =	shalt  }
0x52: {  	_ =	shalt  }
0x53: {  	_ =	shalt  }
0x54: {  	_ =	shalt  }
0x55: {  	_ =	shalt  }
0x56: {  	_ =	shalt  }
0x57: {  	_ =	shalt  }
0x58: {  	_ =	shalt  }
0x59: {  	_ =	shalt  }
0x5a: {  	_ =	shalt  }
0x5b: {  	_ =	shalt  }
0x5c: {  	_ =	shalt  }
0x5d: {  	_ =	shalt  }
0x5e: {  	_ =	shalt  }
0x5f: {  	_ =	shalt  }
0x60: {  	_ =	shalt  }
0x61: {  	_ =	shalt  }
0x62: {  	_ =	shalt  }
0x63: {  	_ =	shalt  }
0x64: {  	_ =	shalt  }
0x65: {  	_ =	shalt  }
0x66: {  	_ =	shalt  }
0x67: {  	_ =	shalt  }
0x68: {  	_ =	shalt  }
0x69: {  	_ =	shalt  }
0x6a: {  	_ =	shalt  }
0x6b: {  	_ =	shalt  }
0x6c: {  	_ =	shalt  }
0x6d: {  	_ =	shalt  }
0x6e: {  	_ =	shalt  }
0x6f: {  	_ =	shalt  }
0x70: {  	_ =	shalt  }
0x71: {  	_ =	shalt  }
0x72: {  	_ =	shalt  }
0x73: {  	_ =	shalt  }
0x74: {  	_ =	shalt  }
0x75: {  	_ =	shalt  }
0x76: {  	_ =	shalt  }
0x77: {  	_ =	shalt  }
0x78: {  	_ =	shalt  }
0x79: {  	_ =	shalt  }
0x7a: {  	_ =	shalt  }
0x7b: {  	_ =	shalt  }
0x7c: {  	_ =	shalt  }
0x7d: {  	_ =	shalt  }
0x7e: {  	_ =	shalt  }
0x7f: {  	_ =	shalt  }
0x80: {  	_ =	shalt  }
0x81: {  	_ =	shalt  }
0x82: {  	_ =	shalt  }
0x83: {  	_ =	shalt  }
0x84: {  	_ =	shalt  }
0x85: {  	_ =	shalt  }
0x86: {  	_ =	shalt  }
0x87: {  	_ =	shalt  }
.Lfunc_end0:
.L_simem_size_0:
called_computation_lowered:
.L_overlay_start_0:
0x88: {  	s2 =	sld [smem:$0x3FD9]  }
0x89: {  	s3 =	sld [smem:$0x3FFE];
	_ =	sdelay $0x1  }
0x8a: {  	s1 =	srdreg.scid  }
0x8b: {  	s0 =	sand.u32 $0x1, s1  }
0x8c: {  	s14 =	sshll.u32 s0, $0xA;
	s2 =	sadd.s32 s3, s2  }
0x8d: {  	s2 =	sadd.s32 s2, s14  }
0x8e: {  	[smem:$0x3FC3] =	sst s2  }
0x8f: {  	_ = 	snop  }
0x90: {  	s2 =	sld [smem:$0x3FD0];
	_ =	sdelay $0x2  }
0x91: {  	s15 =	simm.s32 $0xA;
	s4 =	simm.s32 $0x10  }
0x92: {  	[smem:s4], [sflag:s15] =	dma.local [hbm:s2], $0x1  }
0x93: {  	_ =	swait.eq [sflag:s15], $0x1  }
0x94: {  	[sflag:s15] =	ssyncset.done $0x0  }
0x95: {  	s16 =	sld [smem:$0x10];
	[sflag:s15] =	ssyncadd.s32 $0xFFFFFFFF  }
0x96: {  	s17 =	sld [smem:$0x11];
	(tm) =	ssettm $0x1  }
0x97: {  	s18 =	sld [smem:$0x3FFB];
	_ =	sdelay $0x3  }
0x98: {  	_ =	strace s18  }
0x99: {  	s4 =	sld [smem:$0x3FFC];
	_ =	sdelay $0x3  }
0x9a: {  	_ =	strace s4  }
0x9b: {  	s4 =	sld [smem:$0x3FFD];
	_ =	sdelay $0x3  }
0x9c: {  	_ =	strace s4  }
0x9d: {  	_ =	strace $0x8FFFFFFF  }
0x9e: {  	s19 =	sld [smem:$0x3FDB];
	_ =	sdelay $0x1  }
0x9f: {  	s5 =	simm.s32 $_scs_section_size  }
0xa0: {  	s6 =	simm.s32 $_size__tile_overlayer_lowered;
	s7 =	simm.s32 $_tile_overlayer_lowered  }
0xa1: {  	s22 =	simm.s32 $0x1BFF;
	s21 =	sshll.u32 s7, $0x1;
	s4 =	sadd.s32 s5, s19  }
0xa2: {  	s8 =	simm.s32 $0x0;
	s20 =	sshll.u32 s6, $0x1;
	s6 =	sadd.s32 s21, s4  }
0xa3: {  	[timem:s8], [sflag:s22] =	dma.local [hbm:s6], s20  }
0xa4: {  	_ =	swait.ge [sflag:s22], s20  }
0xa5: {  	s5 =	ssub.s32 $0x0, s20;
	[sflag:s22] =	ssyncset.done $0x0  }
0xa6: {  	[sflag:s22] =	ssyncadd.s32 s5;
	_ =	sdelay $0x1  }
0xa7: {  	s23 =	simm.s32 $0x1B8B  }
0xa8: {  	_ =	swait.ge [sflag:s23], $0x1  }
0xa9: {  	[sflag:s23] =	ssyncset.done $0x0  }
0xaa: {  	s25 =	simm.s32 $0x1B8E;
	s24 =	sld [smem:$0x3FFE];
	[sflag:s23] =	ssyncadd.s32 $0xFFFFFFFF  }
0xab: {  	s26 =	simm.s32 $execute0_lowered;
	[smem:$0x3FD2] =	sst s25  }
0xac: {  	s6 =	sshll.u32 s26, $0x1;
	_ =	strace $0x80000046;
	[dreg:$0x1] =	wrdreg $0xFFFFFFFF  }
0xad: {  	s28 =	simm.s32 $_size_execute0_lowered;
	s4 =	sadd.s32 s4, s6;
	[dreg:$0x0] =	wrdreg $0x0  }
0xae: {  	s6 =	sshll.u32 s28, $0x1;
	[dreg:$0x2] =	wrdreg s4  }
0xaf: {  	[dreg:$0x3] =	wrdreg s6  }
0xb0: {  	[dreg:$0x4] =	wrdreg $0xC0  }
0xb1: {  	_ =	task [dreg:s8], $0x5FFFF  }
0xb2: {  	[dreg:$0x1] =	wrdreg $0xFFFFFFFF  }
0xb3: {  	[dreg:$0x0] =	wrdreg $0x60  }
0xb4: {  	[dreg:$0x2] =	wrdreg s24  }
0xb5: {  	[dreg:$0x3] =	wrdreg s17  }
0xb6: {  	[dreg:$0x4] =	wrdreg s16  }
0xb7: {  	[dreg:$0x5] =	wrdreg $0x9  }
0xb8: {  	_ =	task.clear_ibuf [dreg:s8], $0x6FFFF;
	_ =	strace $0x90000046  }
0xb9: {  	s29 =	simm.s32 $0x9;
	_ =	strace $0x80000048  }
0xba: {  	_ =	swait.ge [sflag:s29], $0x1  }
0xbb: {  	[sflag:s29] =	ssyncadd.s32 $0xFFFFFFFF  }
0xbc: {  	_ =	strace $0x90000048  }
0xbd: {  	_ =	sfence  }
0xbe: {  	s30 =	sld [smem:$0x0];
	_ =	sdelay $0x2  }
0xbf: {  	s31 =	sshll.u32 s1, $0xD;
	s1 =	sshrl.u32 s1, $0x2  }
0xc0: {  	s3 =	sand.u32 $0x4000, s31;
	s1 =	sadd.s32 s1, s30  }
0xc1: {  	s0 =	sor.u32 s3, s0;
	s1 =	sshll.u32 s1, $0x11  }
0xc2: {  	s0 =	sor.u32 s1, s0  }
0xc3: {  	s0 =	sadd.s32 $0x8F2B, s0  }
0xc4: {  	[sflag:s0] =	ssyncadd.remote.s32 $0x1  }
0xc5: {  	_ =	sfence.sel $0xFFFF  }
0xc6: {  	[dreg:$0x0] =	wrdreg $0xFFFFFFFF;
	(pc) =	sbr.abs _section_cstart, $3  }
0xc7: {  	[dreg:$0x1] =	wrdreg $0xFFFFFFFF  }
0xc8: {  	_ =	task.clear_ibuf [dreg:s8], $0x2FFFF;
	_ =	strace $0x9FFFFFFF  }
0xc9: {  	(tm) =	ssettm $0x7FFFFFFF  }
tec
execute0_lowered:
.L_overlay_start_1:
0x0: {  	(tag) =	ssettag $0x1  }
0x1: {  	s0 =	rddreg [dreg:$0x0]  }
0x2: {  	s2 =	rddreg [dreg:$0x2];
	s3 =	simm.s32 $0x0  }
0x3: {  	s8 =	srdreg.scid;
	s1 =	stileid.u32;
	s20 =	simm.s32 $0x9  }
0x4: {  	s21 =	simm.s32 $0x1000;
	s22 =	simm.s32 $0x2800;
	s23 =	simm.s32 $0x4000  }
0x5: {  	[smem:$0x7FF] =	sst s3;
	s5 =	sadd.s32 $0x8E00, s0;
	s6 =	sadd.s32 $0x9000, s0  }
0x6: {  	s7 =	sadd.s32 $0x9600, s0;
	s9 =	sand.u32 $0x1, s8;
	s10 =	sshll.u32 s1, $0x1  }
0x7: {  	s8 =	sadd.s32 $0x9400, s0;
	s18 =	sadd.s32 $0x9E00, s0;
	s24 =	sor.u32 s9, s10  }
0x8: {  	_ =	strace $0x80000047;
	s11 =	ssub.s32 $0x2, s9;
	s9 =	smul.u32 $0xC0, s24  }
0x9: {  	s10 =	sadd.s32 $0x9A00, s0;
	s12 =	sshrl.u32 s11, $0x1;
	s15 =	smul.u32 $0x3000, s24  }
0xa: {  	p0 =	sne.s32 s24, $0x0;
	s24 =	simm.s32 $0x0;
	s31 =	ssub.s32 s11, s12  }
0xb: {  	s11 =	sadd.s32 $0x100, s2;
	s12 =	sor.u32 $0x30, s9;
	s13 =	sadd.s32 $0x60, s9  }
0xc: {  	s14 =	sadd.s32 $0x90, s9;
	s15 =	sadd.s32 s18, s15;
	s16 =	sshll.u32 s12, $0x6  }
0xd: {  	s17 =	sshll.u32 s13, $0x6;
	s19 =	sshll.u32 s14, $0x6;
	s16 =	sadd.s32 s18, s16  }
0xe: {  	v0 =	vlaneseq.u32;
	s17 =	sadd.s32 s18, s17;
	s18 =	sadd.s32 s18, s19;
	s19 =	smax.u32 s31, $0x1  }
.LBB2_1:
0xf: {  	[tilespmem:s3], [sflag:$0x9] =	stream.linear.gather [hbm4b:s5+s3], $0x800, $0x38;
	[tilespmem:$0x1C080] =	vst v63  }
0x10: {  	_ =	swait.ge [sflag:s20], $0x800  }
0x11: {  	[sflag:s20] =	ssyncset.done $0x0  }
0x12: {  	s0 =	simm.s32 $0x800;
	[sflag:s20] =	ssyncadd.s32 $0xFFFFF800  }
0x13: {  	[tilespmem:s0], [sflag:$0x9] =	stream.linear.gather [hbm4b:s6+s3], $0x800, $0x38;
	[tilespmem:$0x1C080] =	vst v63  }
0x14: {  	_ =	swait.ge [sflag:s20], $0x800  }
0x15: {  	[sflag:s20] =	ssyncset.done $0x0  }
0x16: {  	[sflag:s20] =	ssyncadd.s32 $0xFFFFF800  }
0x17: {  	s1 =	rddreg [dreg:$0x1]  }
0x18: {  	[tilespmem:s21], [sflag:$0x9] =	stream.linear.gather [hbm4b:s1+s3], $0x1800, $0x38;
	[tilespmem:$0x1C080] =	vst v63  }
0x19: {  	_ =	swait.ge [sflag:s20], $0x1800  }
0x1a: {  	[sflag:s20] =	ssyncset.done $0x0  }
0x1b: {  	[sflag:s20] =	ssyncadd.s32 $0xFFFFE800  }
0x1c: {  	[tilespmem:s22], [sflag:$0x9] =	stream.linear.gather [hbm4b:s7+s3], $0x1800, $0x38;
	[tilespmem:$0x1C080] =	vst v63  }
0x1d: {  	_ =	swait.ge [sflag:s20], $0x1800  }
0x1e: {  	[sflag:s20] =	ssyncset.done $0x0  }
0x1f: {  	[sflag:s20] =	ssyncadd.s32 $0xFFFFE800  }
0x20: {  	[tilespmem:s23], [sflag:$0x9] =	stream.linear.gather [hbm4b:s8+s3], $0x80, $0x38;
	[tilespmem:$0x1C080] =	vst v63  }
0x21: {  	_ =	swait.ge [sflag:s20], $0x80  }
0x22: {  	[sflag:s20] =	ssyncset.done $0x0  }
0x23: {  	[sflag:s20] =	ssyncadd.s32 $0xFFFFFF80  }
0x24: {  	v1 =	vld [tilespmem:s3+$0x0];
	_ =	sdelay $0x3  }
0x25: {  	v2 =	vld [tilespmem:s0+$0x0];
	_ =	sdelay $0x2  }
0x26: {  	v3 =	vor.u32 s3, v0  }
0x27: {  	[tilespmem:v1+s21+$0x0] =	vst.idx.msk $0xffff, v3  }
0x28: {  	s25 =	simm.s32 $0x10;
	[tilespmem:v1+s22+$0x0] =	vst.idx.msk $0xffff, v2  }
0x29: {  	v1 =	vld [tilespmem:s25+$0x0]  }
0x2a: {  	s26 =	simm.s32 $0x20;
	s28 =	simm.s32 $0x10  }
.LBB2_2:
0x2b: {  	p1 =	sne.s32 s26, $0x7F0  }
0x2c: {  	s0 =	sadd.s32 $0x10, s0  }
0x2d: {  	v2 =	vld [tilespmem:s0+$0x0];
	_ =	sdelay $0x2  }
.Ltmp0:
0x2e: {  	v3 =	vor.u32 s25, v0;
	s25 =	smov.u32 s26;
	(pc) =	sbr.rel @p1 .LBB2_2-.Ltmp0, $4  }
0x2f: {  	[tilespmem:v1+s21+$0x0] =	vst.idx.msk $0xffff, v3  }
0x30: {  	s28 =	sadd.s32 $0x10, s28;
	[tilespmem:v1+s22+$0x0] =	vst.idx.msk $0xffff, v2  }
0x31: {  	v1 =	vld [tilespmem:s28+$0x0]  }
0x32: {  	s26 =	sadd.s32 $0x10, s26  }
0x33: {  	_ =	sdelay $0x1  }
0x34: {  	s0 =	sadd.s32 $0x10, s0  }
0x35: {  	v2 =	vld [tilespmem:s0+$0x0];
	_ =	sdelay $0x2  }
0x36: {  	v3 =	vor.u32 s25, v0  }
0x37: {  	[tilespmem:v1+s21+$0x0] =	vst.idx.msk $0xffff, v3  }
0x38: {  	s25 =	simm.s32 @!p0 $0x2800;
	s0 =	simm.s32 @!p0 $0x0;
	[tilespmem:v1+s22+$0x0] =	vst.idx.msk $0xffff, v2  }
0x39: {  	[hbm4b:s10+s0] =	stream.linear.scatter @!p0 [tilespmem:s25], [sflag:$0x9], $0x1800, $0x38;
	[tilespmem:$0x1C080] =	vst v63  }
0x3a: {  	s0 =	simm.s32 @!p0 $0x9  }
0x3b: {  	_ =	swait.ge @!p0 [sflag:s0], $0x1800  }
0x3c: {  	[sflag:s0] =	ssyncset.done @!p0 $0x0  }
0x3d: {  	[sflag:s0] =	ssyncadd.s32 @!p0 $0xFFFFE800  }
0x3e: {  	v1 =	vld [tilespmem:$0x4000];
	_ =	sdelay $0x4  }
0x3f: {  	(v2sf) =	vpush v1, $0x0;
	_ =	sdelay $0xe  }
0x40: {  	s31 =	spop (v2sf)  }
0x41: {  	s28 =	sshll.u32 s31, $0x8  }
0x42: {  	p1 =	sge.s32 s9, s28  }
0x43: {  	v1 =	vld @!p1 [tilespmem:s9+$0x1000];
	_ =	sdelay $0x4  }
0x44: {  	v2 =	vshll.u32 @!p1 v1, $0x2  }
0x45: {  	v3 =	vlaneseq.u32 @!p1;
	v1 =	vand.u32 @!p1 $0x7, v1;
	v2 =	vand.u32 @!p1 $0xFFFFFFE0, v2  }
0x46: {  	v4 =	vshrl.u32 @!p1 v3, $0x3;
	v1 =	vor.u32 @!p1 v1, v2;
	v2 =	vand.u32 @!p1 $0x7, v3  }
0x47: {  	v4 =	vmul.u32 @!p1 $0x8, v4;
	v5 =	vperm.xlane @!p1 v1, v2;
	_ =	sdelay $0x1  }
0x48: {  	v5 =	vadd.s32 @!p1 v4, v5  }
0x49: {  	v3 =	vor.u32 @!p1 $0x8, v3  }
0x4a: {  	v1 =	vperm.xlane @!p1 v1, v3;
	_ =	sdelay $0x1  }
0x4b: {  	vm0 =	vmmov @!p1 $0xffff;
	s25 =	simm.s32 @!p1 $0x0;
	s26 =	simm.s32 @!p1 $0x4080;
	v1 =	vadd.s32 @!p1 v4, v1  }
0x4c: {  	[tilespmem:s26], [sflag:$0x1] =	stream.indirect_vreg.gather @!p1 [hbm4b:s2+s25], $0x80, v5, vm0, $0xb8;
	[tilespmem:$0x1C080] =	vst v63  }
0x4d: {  	s0 =	simm.s32 @!p1 $0x4880  }
0x4e: {  	[tilespmem:s0], [sflag:$0x1] =	stream.indirect_vreg.gather @!p1 [hbm4b:s11+s25], $0x80, v5, vm0, $0xb8;
	[tilespmem:$0x1C080] =	vst v63  }
0x4f: {  	s0 =	simm.s32 @!p1 $0x5080  }
0x50: {  	[tilespmem:s0], [sflag:$0x1] =	stream.indirect_vreg.gather @!p1 [hbm4b:s2+s25], $0x80, v1, vm0, $0xb8;
	[tilespmem:$0x1C080] =	vst v63  }
0x51: {  	s0 =	simm.s32 @!p1 $0x5880  }
0x52: {  	[tilespmem:s0], [sflag:$0x1] =	stream.indirect_vreg.gather @!p1 [hbm4b:s11+s25], $0x80, v1, vm0, $0xb8;
	[tilespmem:$0x1C080] =	vst v63  }
0x53: {  	v1 =	vld @!p1 [tilespmem:s9+$0x1010];
	_ =	sdelay $0x4  }
0x54: {  	v5 =	vshll.u32 @!p1 v1, $0x2  }
0x55: {  	v1 =	vand.u32 @!p1 $0x7, v1;
	v5 =	vand.u32 @!p1 $0xFFFFFFE0, v5  }
0x56: {  	v1 =	vor.u32 @!p1 v1, v5  }
0x57: {  	v5 =	vperm.xlane @!p1 v1, v2;
	_ =	sdelay $0x1  }
0x58: {  	v5 =	vadd.s32 @!p1 v4, v5;
	_ =	sdelay $0x1  }
0x59: {  	v1 =	vperm.xlane @!p1 v1, v3;
	_ =	sdelay $0x1  }
0x5a: {  	s0 =	simm.s32 @!p1 $0x6080;
	v1 =	vadd.s32 @!p1 v4, v1  }
0x5b: {  	[tilespmem:s0], [sflag:$0x1] =	stream.indirect_vreg.gather @!p1 [hbm4b:s2+s25], $0x80, v5, vm0, $0xb8;
	[tilespmem:$0x1C080] =	vst v63  }
0x5c: {  	s0 =	simm.s32 @!p1 $0x6880  }
0x5d: {  	[tilespmem:s0], [sflag:$0x1] =	stream.indirect_vreg.gather @!p1 [hbm4b:s11+s25], $0x80, v5, vm0, $0xb8;
	[tilespmem:$0x1C080] =	vst v63  }
0x5e: {  	s0 =	simm.s32 @!p1 $0x7080  }
0x5f: {  	[tilespmem:s0], [sflag:$0x1] =	stream.indirect_vreg.gather @!p1 [hbm4b:s2+s25], $0x80, v1, vm0, $0xb8;
	[tilespmem:$0x1C080] =	vst v63  }
0x60: {  	s0 =	simm.s32 @!p1 $0x7880  }
0x61: {  	[tilespmem:s0], [sflag:$0x1] =	stream.indirect_vreg.gather @!p1 [hbm4b:s11+s25], $0x80, v1, vm0, $0xb8;
	[tilespmem:$0x1C080] =	vst v63  }
0x62: {  	v1 =	vld @!p1 [tilespmem:s9+$0x1020];
	_ =	sdelay $0x4  }
0x63: {  	v5 =	vshll.u32 @!p1 v1, $0x2  }
0x64: {  	v1 =	vand.u32 @!p1 $0x7, v1;
	v5 =	vand.u32 @!p1 $0xFFFFFFE0, v5  }
0x65: {  	v1 =	vor.u32 @!p1 v1, v5  }
0x66: {  	v2 =	vperm.xlane @!p1 v1, v2;
	_ =	sdelay $0x1  }
0x67: {  	v2 =	vadd.s32 @!p1 v4, v2;
	_ =	sdelay $0x1  }
0x68: {  	v1 =	vperm.xlane @!p1 v1, v3;
	_ =	sdelay $0x1  }
0x69: {  	s0 =	simm.s32 @!p1 $0x8080;
	v1 =	vadd.s32 @!p1 v4, v1  }
0x6a: {  	[tilespmem:s0], [sflag:$0x1] =	stream.indirect_vreg.gather @!p1 [hbm4b:s2+s25], $0x80, v2, vm0, $0xb8;
	[tilespmem:$0x1C080] =	vst v63  }
0x6b: {  	s0 =	simm.s32 @!p1 $0x8880  }
0x6c: {  	[tilespmem:s0], [sflag:$0x1] =	stream.indirect_vreg.gather @!p1 [hbm4b:s11+s25], $0x80, v2, vm0, $0xb8;
	[tilespmem:$0x1C080] =	vst v63  }
0x6d: {  	s0 =	simm.s32 @!p1 $0x9080  }
0x6e: {  	[tilespmem:s0], [sflag:$0x1] =	stream.indirect_vreg.gather @!p1 [hbm4b:s2+s25], $0x80, v1, vm0, $0xb8;
	[tilespmem:$0x1C080] =	vst v63  }
0x6f: {  	p2 =	sge.s32 s12, s28;
	s0 =	simm.s32 @!p1 $0x9880  }
0x70: {  	[tilespmem:s0], [sflag:$0x1] =	stream.indirect_vreg.gather @!p1 [hbm4b:s11+s25], $0x80, v1, vm0, $0xb8;
	[tilespmem:$0x1C080] =	vst v63  }
0x71: {  	v1 =	vld @!p2 [tilespmem:s12+$0x1000];
	_ =	sdelay $0x4  }
0x72: {  	v2 =	vshll.u32 @!p2 v1, $0x2  }
0x73: {  	v3 =	vlaneseq.u32 @!p2;
	v1 =	vand.u32 @!p2 $0x7, v1;
	v2 =	vand.u32 @!p2 $0xFFFFFFE0, v2  }
0x74: {  	v4 =	vshrl.u32 @!p2 v3, $0x3;
	v1 =	vor.u32 @!p2 v1, v2;
	v2 =	vand.u32 @!p2 $0x7, v3  }
0x75: {  	v4 =	vmul.u32 @!p2 $0x8, v4;
	v5 =	vperm.xlane @!p2 v1, v2;
	_ =	sdelay $0x1  }
0x76: {  	v5 =	vadd.s32 @!p2 v4, v5  }
0x77: {  	v3 =	vor.u32 @!p2 $0x8, v3  }
0x78: {  	v1 =	vperm.xlane @!p2 v1, v3;
	_ =	sdelay $0x1  }
0x79: {  	s29 =	simm.s32 @!p2 $0x0;
	s30 =	simm.s32 @!p2 $0xA080;
	vm0 =	vmmov @!p2 $0xffff;
	v1 =	vadd.s32 @!p2 v4, v1  }
0x7a: {  	[tilespmem:s30], [sflag:$0x2] =	stream.indirect_vreg.gather @!p2 [hbm4b:s2+s29], $0x80, v5, vm0, $0xb8;
	[tilespmem:$0x1C080] =	vst v63  }
0x7b: {  	s0 =	simm.s32 @!p2 $0xA880  }
0x7c: {  	[tilespmem:s0], [sflag:$0x2] =	stream.indirect_vreg.gather @!p2 [hbm4b:s11+s29], $0x80, v5, vm0, $0xb8;
	[tilespmem:$0x1C080] =	vst v63  }
0x7d: {  	s0 =	simm.s32 @!p2 $0xB080  }
0x7e: {  	[tilespmem:s0], [sflag:$0x2] =	stream.indirect_vreg.gather @!p2 [hbm4b:s2+s29], $0x80, v1, vm0, $0xb8;
	[tilespmem:$0x1C080] =	vst v63  }
0x7f: {  	s0 =	simm.s32 @!p2 $0xB880  }
0x80: {  	[tilespmem:s0], [sflag:$0x2] =	stream.indirect_vreg.gather @!p2 [hbm4b:s11+s29], $0x80, v1, vm0, $0xb8;
	[tilespmem:$0x1C080] =	vst v63  }
0x81: {  	v1 =	vld @!p2 [tilespmem:s12+$0x1010];
	_ =	sdelay $0x4  }
0x82: {  	v5 =	vshll.u32 @!p2 v1, $0x2  }
0x83: {  	v1 =	vand.u32 @!p2 $0x7, v1;
	v5 =	vand.u32 @!p2 $0xFFFFFFE0, v5  }
0x84: {  	v1 =	vor.u32 @!p2 v1, v5  }
0x85: {  	v5 =	vperm.xlane @!p2 v1, v2;
	_ =	sdelay $0x1  }
0x86: {  	v5 =	vadd.s32 @!p2 v4, v5;
	_ =	sdelay $0x1  }
0x87: {  	v1 =	vperm.xlane @!p2 v1, v3;
	_ =	sdelay $0x1  }
0x88: {  	s0 =	simm.s32 @!p2 $0xC080;
	v1 =	vadd.s32 @!p2 v4, v1  }
0x89: {  	[tilespmem:s0], [sflag:$0x2] =	stream.indirect_vreg.gather @!p2 [hbm4b:s2+s29], $0x80, v5, vm0, $0xb8;
	[tilespmem:$0x1C080] =	vst v63  }
0x8a: {  	s0 =	simm.s32 @!p2 $0xC880  }
0x8b: {  	[tilespmem:s0], [sflag:$0x2] =	stream.indirect_vreg.gather @!p2 [hbm4b:s11+s29], $0x80, v5, vm0, $0xb8;
	[tilespmem:$0x1C080] =	vst v63  }
0x8c: {  	s0 =	simm.s32 @!p2 $0xD080  }
0x8d: {  	[tilespmem:s0], [sflag:$0x2] =	stream.indirect_vreg.gather @!p2 [hbm4b:s2+s29], $0x80, v1, vm0, $0xb8;
	[tilespmem:$0x1C080] =	vst v63  }
0x8e: {  	s0 =	simm.s32 @!p2 $0xD880  }
0x8f: {  	[tilespmem:s0], [sflag:$0x2] =	stream.indirect_vreg.gather @!p2 [hbm4b:s11+s29], $0x80, v1, vm0, $0xb8;
	[tilespmem:$0x1C080] =	vst v63  }
0x90: {  	v1 =	vld @!p2 [tilespmem:s12+$0x1020];
	_ =	sdelay $0x4  }
0x91: {  	v5 =	vshll.u32 @!p2 v1, $0x2  }
0x92: {  	v1 =	vand.u32 @!p2 $0x7, v1;
	v5 =	vand.u32 @!p2 $0xFFFFFFE0, v5  }
0x93: {  	v1 =	vor.u32 @!p2 v1, v5  }
0x94: {  	v2 =	vperm.xlane @!p2 v1, v2;
	_ =	sdelay $0x1  }
0x95: {  	v2 =	vadd.s32 @!p2 v4, v2;
	_ =	sdelay $0x1  }
0x96: {  	v1 =	vperm.xlane @!p2 v1, v3;
	_ =	sdelay $0x1  }
0x97: {  	s0 =	simm.s32 @!p2 $0xE080;
	v1 =	vadd.s32 @!p2 v4, v1  }
0x98: {  	[tilespmem:s0], [sflag:$0x2] =	stream.indirect_vreg.gather @!p2 [hbm4b:s2+s29], $0x80, v2, vm0, $0xb8;
	[tilespmem:$0x1C080] =	vst v63  }
0x99: {  	s0 =	simm.s32 @!p2 $0xE880  }
0x9a: {  	[tilespmem:s0], [sflag:$0x2] =	stream.indirect_vreg.gather @!p2 [hbm4b:s11+s29], $0x80, v2, vm0, $0xb8;
	[tilespmem:$0x1C080] =	vst v63  }
0x9b: {  	s0 =	simm.s32 @!p2 $0xF080  }
0x9c: {  	[tilespmem:s0], [sflag:$0x2] =	stream.indirect_vreg.gather @!p2 [hbm4b:s2+s29], $0x80, v1, vm0, $0xb8;
	[tilespmem:$0x1C080] =	vst v63  }
0x9d: {  	p3 =	sge.s32 s13, s28;
	s0 =	simm.s32 @!p2 $0xF880  }
0x9e: {  	[tilespmem:s0], [sflag:$0x2] =	stream.indirect_vreg.gather @!p2 [hbm4b:s11+s29], $0x80, v1, vm0, $0xb8;
	[tilespmem:$0x1C080] =	vst v63  }
0x9f: {  	v1 =	vld @!p3 [tilespmem:s13+$0x1000];
	_ =	sdelay $0x4  }
0xa0: {  	v2 =	vshll.u32 @!p3 v1, $0x2  }
0xa1: {  	v3 =	vlaneseq.u32 @!p3;
	v1 =	vand.u32 @!p3 $0x7, v1;
	v2 =	vand.u32 @!p3 $0xFFFFFFE0, v2  }
0xa2: {  	v4 =	vshrl.u32 @!p3 v3, $0x3;
	v1 =	vor.u32 @!p3 v1, v2;
	v2 =	vand.u32 @!p3 $0x7, v3  }
0xa3: {  	v4 =	vmul.u32 @!p3 $0x8, v4;
	v5 =	vperm.xlane @!p3 v1, v2;
	_ =	sdelay $0x1  }
0xa4: {  	v5 =	vadd.s32 @!p3 v4, v5  }
0xa5: {  	v3 =	vor.u32 @!p3 $0x8, v3  }
0xa6: {  	v1 =	vperm.xlane @!p3 v1, v3;
	_ =	sdelay $0x1  }
0xa7: {  	s31 =	simm.s32 @!p3 $0x0;
	vm0 =	vmmov @!p3 $0xffff;
	s0 =	simm.s32 @!p3 $0x10080;
	v1 =	vadd.s32 @!p3 v4, v1  }
0xa8: {  	[tilespmem:s0], [sflag:$0x3] =	stream.indirect_vreg.gather @!p3 [hbm4b:s2+s31], $0x80, v5, vm0, $0xb8;
	[tilespmem:$0x1C080] =	vst v63  }
0xa9: {  	s4 =	simm.s32 @!p3 $0x10880  }
0xaa: {  	[tilespmem:s4], [sflag:$0x3] =	stream.indirect_vreg.gather @!p3 [hbm4b:s11+s31], $0x80, v5, vm0, $0xb8;
	[tilespmem:$0x1C080] =	vst v63  }
0xab: {  	s4 =	simm.s32 @!p3 $0x11080  }
0xac: {  	[tilespmem:s4], [sflag:$0x3] =	stream.indirect_vreg.gather @!p3 [hbm4b:s2+s31], $0x80, v1, vm0, $0xb8;
	[tilespmem:$0x1C080] =	vst v63  }
0xad: {  	s4 =	simm.s32 @!p3 $0x11880  }
0xae: {  	[tilespmem:s4], [sflag:$0x3] =	stream.indirect_vreg.gather @!p3 [hbm4b:s11+s31], $0x80, v1, vm0, $0xb8;
	[tilespmem:$0x1C080] =	vst v63  }
0xaf: {  	v1 =	vld @!p3 [tilespmem:s13+$0x1010];
	_ =	sdelay $0x4  }
0xb0: {  	v5 =	vshll.u32 @!p3 v1, $0x2  }
0xb1: {  	v1 =	vand.u32 @!p3 $0x7, v1;
	v5 =	vand.u32 @!p3 $0xFFFFFFE0, v5  }
0xb2: {  	v1 =	vor.u32 @!p3 v1, v5  }
0xb3: {  	v5 =	vperm.xlane @!p3 v1, v2;
	_ =	sdelay $0x1  }
0xb4: {  	v5 =	vadd.s32 @!p3 v4, v5;
	_ =	sdelay $0x1  }
0xb5: {  	v1 =	vperm.xlane @!p3 v1, v3;
	_ =	sdelay $0x1  }
0xb6: {  	s4 =	simm.s32 @!p3 $0x12080;
	v1 =	vadd.s32 @!p3 v4, v1  }
0xb7: {  	[tilespmem:s4], [sflag:$0x3] =	stream.indirect_vreg.gather @!p3 [hbm4b:s2+s31], $0x80, v5, vm0, $0xb8;
	[tilespmem:$0x1C080] =	vst v63  }
0xb8: {  	s4 =	simm.s32 @!p3 $0x12880  }
0xb9: {  	[tilespmem:s4], [sflag:$0x3] =	stream.indirect_vreg.gather @!p3 [hbm4b:s11+s31], $0x80, v5, vm0, $0xb8;
	[tilespmem:$0x1C080] =	vst v63  }
0xba: {  	s4 =	simm.s32 @!p3 $0x13080  }
0xbb: {  	[tilespmem:s4], [sflag:$0x3] =	stream.indirect_vreg.gather @!p3 [hbm4b:s2+s31], $0x80, v1, vm0, $0xb8;
	[tilespmem:$0x1C080] =	vst v63  }
0xbc: {  	s4 =	simm.s32 @!p3 $0x13880  }
0xbd: {  	[tilespmem:s4], [sflag:$0x3] =	stream.indirect_vreg.gather @!p3 [hbm4b:s11+s31], $0x80, v1, vm0, $0xb8;
	[tilespmem:$0x1C080] =	vst v63  }
0xbe: {  	v1 =	vld @!p3 [tilespmem:s13+$0x1020];
	_ =	sdelay $0x4  }
0xbf: {  	v5 =	vshll.u32 @!p3 v1, $0x2  }
0xc0: {  	v1 =	vand.u32 @!p3 $0x7, v1;
	v5 =	vand.u32 @!p3 $0xFFFFFFE0, v5  }
0xc1: {  	v1 =	vor.u32 @!p3 v1, v5  }
0xc2: {  	v2 =	vperm.xlane @!p3 v1, v2;
	_ =	sdelay $0x1  }
0xc3: {  	v2 =	vadd.s32 @!p3 v4, v2;
	_ =	sdelay $0x1  }
0xc4: {  	v1 =	vperm.xlane @!p3 v1, v3;
	_ =	sdelay $0x1  }
0xc5: {  	s4 =	simm.s32 @!p3 $0x14080;
	v1 =	vadd.s32 @!p3 v4, v1  }
0xc6: {  	[tilespmem:s4], [sflag:$0x3] =	stream.indirect_vreg.gather @!p3 [hbm4b:s2+s31], $0x80, v2, vm0, $0xb8;
	[tilespmem:$0x1C080] =	vst v63  }
0xc7: {  	s4 =	simm.s32 @!p3 $0x14880  }
0xc8: {  	[tilespmem:s4], [sflag:$0x3] =	stream.indirect_vreg.gather @!p3 [hbm4b:s11+s31], $0x80, v2, vm0, $0xb8;
	[tilespmem:$0x1C080] =	vst v63  }
0xc9: {  	s4 =	simm.s32 @!p3 $0x15080  }
0xca: {  	[tilespmem:s4], [sflag:$0x3] =	stream.indirect_vreg.gather @!p3 [hbm4b:s2+s31], $0x80, v1, vm0, $0xb8;
	[tilespmem:$0x1C080] =	vst v63  }
0xcb: {  	p4 =	sge.s32 s14, s28;
	s4 =	simm.s32 @!p3 $0x15880  }
0xcc: {  	[tilespmem:s4], [sflag:$0x3] =	stream.indirect_vreg.gather @!p3 [hbm4b:s11+s31], $0x80, v1, vm0, $0xb8;
	[tilespmem:$0x1C080] =	vst v63  }
0xcd: {  	v1 =	vld @!p4 [tilespmem:s14+$0x1000];
	_ =	sdelay $0x4  }
0xce: {  	v2 =	vshll.u32 @!p4 v1, $0x2  }
0xcf: {  	v3 =	vlaneseq.u32 @!p4;
	v1 =	vand.u32 @!p4 $0x7, v1;
	v2 =	vand.u32 @!p4 $0xFFFFFFE0, v2  }
0xd0: {  	v4 =	vshrl.u32 @!p4 v3, $0x3;
	v1 =	vor.u32 @!p4 v1, v2;
	v2 =	vand.u32 @!p4 $0x7, v3  }
0xd1: {  	v4 =	vmul.u32 @!p4 $0x8, v4;
	v5 =	vperm.xlane @!p4 v1, v2;
	_ =	sdelay $0x1  }
0xd2: {  	v5 =	vadd.s32 @!p4 v4, v5  }
0xd3: {  	v3 =	vor.u32 @!p4 $0x8, v3  }
0xd4: {  	v1 =	vperm.xlane @!p4 v1, v3;
	_ =	sdelay $0x1  }
0xd5: {  	s28 =	simm.s32 @!p4 $0x0;
	vm0 =	vmmov @!p4 $0xffff;
	s4 =	simm.s32 @!p4 $0x16080;
	v1 =	vadd.s32 @!p4 v4, v1  }
0xd6: {  	[tilespmem:s4], [sflag:$0x4] =	stream.indirect_vreg.gather @!p4 [hbm4b:s2+s28], $0x80, v5, vm0, $0xb8;
	[tilespmem:$0x1C080] =	vst v63  }
0xd7: {  	s1 =	simm.s32 @!p4 $0x16880  }
0xd8: {  	[tilespmem:s1], [sflag:$0x4] =	stream.indirect_vreg.gather @!p4 [hbm4b:s11+s28], $0x80, v5, vm0, $0xb8;
	[tilespmem:$0x1C080] =	vst v63  }
0xd9: {  	s1 =	simm.s32 @!p4 $0x17080  }
0xda: {  	[tilespmem:s1], [sflag:$0x4] =	stream.indirect_vreg.gather @!p4 [hbm4b:s2+s28], $0x80, v1, vm0, $0xb8;
	[tilespmem:$0x1C080] =	vst v63  }
0xdb: {  	s1 =	simm.s32 @!p4 $0x17880  }
0xdc: {  	[tilespmem:s1], [sflag:$0x4] =	stream.indirect_vreg.gather @!p4 [hbm4b:s11+s28], $0x80, v1, vm0, $0xb8;
	[tilespmem:$0x1C080] =	vst v63  }
0xdd: {  	v1 =	vld @!p4 [tilespmem:s14+$0x1010];
	_ =	sdelay $0x4  }
0xde: {  	v5 =	vshll.u32 @!p4 v1, $0x2  }
0xdf: {  	v1 =	vand.u32 @!p4 $0x7, v1;
	v5 =	vand.u32 @!p4 $0xFFFFFFE0, v5  }
0xe0: {  	v1 =	vor.u32 @!p4 v1, v5  }
0xe1: {  	v5 =	vperm.xlane @!p4 v1, v2;
	_ =	sdelay $0x1  }
0xe2: {  	v5 =	vadd.s32 @!p4 v4, v5;
	_ =	sdelay $0x1  }
0xe3: {  	v1 =	vperm.xlane @!p4 v1, v3;
	_ =	sdelay $0x1  }
0xe4: {  	s1 =	simm.s32 @!p4 $0x18080;
	v1 =	vadd.s32 @!p4 v4, v1  }
0xe5: {  	[tilespmem:s1], [sflag:$0x4] =	stream.indirect_vreg.gather @!p4 [hbm4b:s2+s28], $0x80, v5, vm0, $0xb8;
	[tilespmem:$0x1C080] =	vst v63  }
0xe6: {  	s1 =	simm.s32 @!p4 $0x18880  }
0xe7: {  	[tilespmem:s1], [sflag:$0x4] =	stream.indirect_vreg.gather @!p4 [hbm4b:s11+s28], $0x80, v5, vm0, $0xb8;
	[tilespmem:$0x1C080] =	vst v63  }
0xe8: {  	s1 =	simm.s32 @!p4 $0x19080  }
0xe9: {  	[tilespmem:s1], [sflag:$0x4] =	stream.indirect_vreg.gather @!p4 [hbm4b:s2+s28], $0x80, v1, vm0, $0xb8;
	[tilespmem:$0x1C080] =	vst v63  }
0xea: {  	s1 =	simm.s32 @!p4 $0x19880  }
0xeb: {  	[tilespmem:s1], [sflag:$0x4] =	stream.indirect_vreg.gather @!p4 [hbm4b:s11+s28], $0x80, v1, vm0, $0xb8;
	[tilespmem:$0x1C080] =	vst v63  }
0xec: {  	v1 =	vld @!p4 [tilespmem:s14+$0x1020];
	_ =	sdelay $0x4  }
0xed: {  	v5 =	vshll.u32 @!p4 v1, $0x2  }
0xee: {  	v1 =	vand.u32 @!p4 $0x7, v1;
	v5 =	vand.u32 @!p4 $0xFFFFFFE0, v5  }
0xef: {  	v1 =	vor.u32 @!p4 v1, v5  }
0xf0: {  	v2 =	vperm.xlane @!p4 v1, v2;
	_ =	sdelay $0x1  }
0xf1: {  	v2 =	vadd.s32 @!p4 v4, v2;
	_ =	sdelay $0x1  }
0xf2: {  	v1 =	vperm.xlane @!p4 v1, v3;
	_ =	sdelay $0x1  }
0xf3: {  	s1 =	simm.s32 @!p4 $0x1A080;
	v1 =	vadd.s32 @!p4 v4, v1  }
0xf4: {  	[tilespmem:s1], [sflag:$0x4] =	stream.indirect_vreg.gather @!p4 [hbm4b:s2+s28], $0x80, v2, vm0, $0xb8;
	[tilespmem:$0x1C080] =	vst v63  }
0xf5: {  	s1 =	simm.s32 @!p4 $0x1A880  }
0xf6: {  	[tilespmem:s1], [sflag:$0x4] =	stream.indirect_vreg.gather @!p4 [hbm4b:s11+s28], $0x80, v2, vm0, $0xb8;
	[tilespmem:$0x1C080] =	vst v63  }
0xf7: {  	s1 =	simm.s32 @!p4 $0x1B080  }
0xf8: {  	[tilespmem:s1], [sflag:$0x4] =	stream.indirect_vreg.gather @!p4 [hbm4b:s2+s28], $0x80, v1, vm0, $0xb8;
	[tilespmem:$0x1C080] =	vst v63  }
0xf9: {  	s1 =	simm.s32 @!p4 $0x1B880  }
0xfa: {  	[tilespmem:s1], [sflag:$0x4] =	stream.indirect_vreg.gather @!p4 [hbm4b:s11+s28], $0x80, v1, vm0, $0xb8;
	[tilespmem:$0x1C080] =	vst v63  }
0xfb: {  	s1 =	simm.s32 @!p1 $0x1  }
0xfc: {  	_ =	swait.ge @!p1 [sflag:s1], $0x6000  }
0xfd: {  	[sflag:s1] =	ssyncset.done @!p1 $0x0  }
0xfe: {  	[sflag:s1] =	ssyncadd.s32 @!p1 $0xFFFFA000;
	s1 =	simm.s32 @!p2 $0x2  }
0xff: {  	[hbm4b:s15+s25] =	stream.linear.scatter @!p1 [tilespmem:s26], [sflag:$0x5], $0x6000, $0x38;
	[tilespmem:$0x1C080] =	vst v63  }
0x100: {  	_ =	swait.ge @!p2 [sflag:s1], $0x6000  }
0x101: {  	[sflag:s1] =	ssyncset.done @!p2 $0x0  }
0x102: {  	[sflag:s1] =	ssyncadd.s32 @!p2 $0xFFFFA000;
	s1 =	simm.s32 @!p3 $0x3  }
0x103: {  	[hbm4b:s16+s29] =	stream.linear.scatter @!p2 [tilespmem:s30], [sflag:$0x6], $0x6000, $0x38;
	[tilespmem:$0x1C080] =	vst v63  }
0x104: {  	_ =	swait.ge @!p3 [sflag:s1], $0x6000  }
0x105: {  	[sflag:s1] =	ssyncset.done @!p3 $0x0  }
0x106: {  	[sflag:s1] =	ssyncadd.s32 @!p3 $0xFFFFA000  }
0x107: {  	[hbm4b:s17+s31] =	stream.linear.scatter @!p3 [tilespmem:s0], [sflag:$0x7], $0x6000, $0x38;
	[tilespmem:$0x1C080] =	vst v63  }
0x108: {  	s0 =	simm.s32 @!p4 $0x4  }
0x109: {  	_ =	swait.ge @!p4 [sflag:s0], $0x6000  }
0x10a: {  	[sflag:s0] =	ssyncset.done @!p4 $0x0  }
0x10b: {  	[sflag:s0] =	ssyncadd.s32 @!p4 $0xFFFFA000;
	s0 =	simm.s32 @!p1 $0x5  }
0x10c: {  	[hbm4b:s18+s28] =	stream.linear.scatter @!p4 [tilespmem:s4], [sflag:$0x8], $0x6000, $0x38;
	[tilespmem:$0x1C080] =	vst v63  }
0x10d: {  	_ =	swait.ge @!p1 [sflag:s0], $0x6000  }
0x10e: {  	[sflag:s0] =	ssyncset.done @!p1 $0x0  }
0x10f: {  	[sflag:s0] =	ssyncadd.s32 @!p1 $0xFFFFA000;
	s0 =	simm.s32 @!p2 $0x6  }
0x110: {  	_ =	swait.ge @!p2 [sflag:s0], $0x6000  }
0x111: {  	[sflag:s0] =	ssyncset.done @!p2 $0x0  }
0x112: {  	s24 =	sadd.s32 $0x1, s24;
	[sflag:s0] =	ssyncadd.s32 @!p2 $0xFFFFA000;
	s0 =	simm.s32 @!p3 $0x7  }
0x113: {  	p1 =	sne.s32 s24, s19;
	_ =	swait.ge @!p3 [sflag:s0], $0x6000  }
.Ltmp1:
0x114: {  	[sflag:s0] =	ssyncset.done @!p3 $0x0;
	(pc) =	sbr.rel @p1 .LBB2_1-.Ltmp1, $4  }
0x115: {  	[sflag:s0] =	ssyncadd.s32 @!p3 $0xFFFFA000;
	s0 =	simm.s32 @!p4 $0x8  }
0x116: {  	_ =	swait.ge @!p4 [sflag:s0], $0x6000  }
0x117: {  	[sflag:s0] =	ssyncset.done @!p4 $0x0  }
0x118: {  	[sflag:s0] =	ssyncadd.s32 @!p4 $0xFFFFA000  }
0x119: {  	_ =	sfence.sel $0x180000  }
0x11a: {  	[bflag:$0x0] =	sbarrier.arrive $0xFFFF  }
0x11b: {  	_ =	strace $0x90000047  }
0x11c: {  	s0 =	stileid.u32;
	[bflag:$0x2] =	sbarrier.arrive $0xFFFF  }
0x11d: {  	p0 =	sne.s32 s0, $0x0;
	s0 =	rddreg [dreg:$0x3]  }
0x11e: {  	s0 =	sadd.s32 @!p0 $0x100000, s0  }
0x11f: {  	[sflag:s0] =	ssyncadd.tile.s32 @!p0 $0x1;
	_ =	shalt  }
.Lfunc_end2:
_tile_overlayer_lowered:
.L_overlay_start_2:
0x120: {  	(tag) =	ssettag $0x2  }
0x121: {  	s0 =	rddreg [dreg:$0x0];
	s2 =	stileid.u32  }
0x122: {  	s1 =	rddreg [dreg:$0x1];
	p0 =	sne.s32 s2, $0x0  }
0x123: {  	s3 =	rddreg [dreg:$0x2];
	[bflag:$0x3] =	sbarrier.arrive $0xFFFF;
	s2 =	simm.s32 @!p0 $0x1C09  }
0x124: {  	[timem:s3], [sflag:s2] =	dma.local @!p0 [hbm:s0], s1  }
0x125: {  	s0 =	simm.s32 @!p0 $0x9  }
0x126: {  	_ =	swait.ge @!p0 [sflag:s0], s1  }
0x127: {  	s1 =	ssub.s32 @!p0 $0x0, s1;
	[sflag:s0] =	ssyncset.done @!p0 $0x0  }
0x128: {  	[sflag:s0] =	ssyncadd.s32 @!p0 s1  }
0x129: {  	[bflag:$0x3] =	sbarrier.arrive $0xFFFF  }
0x12a: {  	_ =	shalt  }

</sc_bundles>
